<compile_context>
chip_gen: v7x
topology: tpu7x:2x2x1
jax: 0.10.2.dev20260603
libtpu: 0.0.44.dev20260713+nightly
codegen_flags: <defaults>
</compile_context>

<pallas_src>
import functools

import jax
import jax.numpy as jnp
from jax import lax
from jax.experimental import pallas as pl
from jax.experimental.pallas import tpu as pltpu
from jax.experimental.pallas import tpu_sc as plsc

NC = 2
NS = 16
NW = NC * NS
CC = 16
K = 128
NBUF = 1


def _leaky(x):
    return jnp.where(x >= 0, x, 0.01 * x)



def _combine_body(p0_ref, p1_ref, c0_ref, c1_ref, out_ref):
    cnt = c0_ref[:, 0:1] + c1_ref[:, 0:1]
    inv = jnp.where(cnt > 0, 1.0 / cnt, 0.0)
    out_ref[...] = (p0_ref[...] + p1_ref[...]) * inv


def _finish_body(nrows, p0_ref, p1_ref, c0_ref, c1_ref, whg_ref, bhg_ref,
                 wlin_ref, blin_ref, out_ref, acc_ref):
    c = p0_ref.shape[1]
    br = p0_ref.shape[0]
    i = pl.program_id(0)

    @pl.when(i == 0)
    def _():
        acc_ref[...] = jnp.zeros_like(acc_ref)

    cnt = c0_ref[:, 0:1] + c1_ref[:, 0:1]
    inv = jnp.where(cnt > 0, 1.0 / cnt, 0.0)
    s = (p0_ref[...] + p1_ref[...]) * inv
    o = lax.dot_general(s, whg_ref[...], (((1,), (1,)), ((), ())),
                        preferred_element_type=jnp.float32,
                        precision=lax.Precision.HIGHEST) + bhg_ref[...]
    y = _leaky(o)
    row = i * br + lax.broadcasted_iota(jnp.int32, (br, c), 0)
    y = jnp.where(row < nrows, y, 0.0)
    acc_ref[...] += lax.dot_general(y, y, (((0,), (0,)), ((), ())),
                                    preferred_element_type=jnp.float32,
                                    precision=lax.Precision.HIGHEST)

    @pl.when(i == pl.num_programs(0) - 1)
    def _():
        z = lax.dot_general(acc_ref[...], wlin_ref[...], (((1,), (1,)), ((), ())),
                            preferred_element_type=jnp.float32,
                            precision=lax.Precision.HIGHEST) + blin_ref[...]
        out_ref[...] = _leaky(z)



def _sc_pass_body(npad, c, nsuper,
                  gidx, sidx, table, onesrc, zrows, zcnt, out, outc,
                  gblk, sblk, rows, ones, acc, accc, gsem, ssem, csem, isem):
    ci = lax.axis_index("c")
    si = lax.axis_index("s")
    wid = si * NC + ci
    rps = npad // NS

    pltpu.sync_copy(onesrc, ones)

    pltpu.async_copy(gidx.at[wid, pl.ds(0, NBUF)], gblk.at[0], isem.at[0])
    pltpu.async_copy(sidx.at[wid, pl.ds(0, NBUF)], sblk.at[0], isem.at[0])

    pltpu.sync_copy(zrows.at[pl.ds(si * rps, rps)],
                    acc.at[pl.ds(si * rps, rps)])
    pltpu.sync_copy(zcnt.at[pl.ds(si * rps, rps)],
                    accc.at[pl.ds(si * rps, rps)])
    plsc.subcore_barrier()

    def body(j, carry):
        slot = lax.rem(j, 2)
        nxt = lax.rem(j + 1, 2)
        pltpu.make_async_copy(gidx.at[0, pl.ds(0, NBUF)], gblk.at[slot],
                              isem.at[slot]).wait()
        pltpu.make_async_copy(sidx.at[0, pl.ds(0, NBUF)], sblk.at[slot],
                              isem.at[slot]).wait()
        @pl.when(j + 1 < nsuper)
        def _():
            pltpu.async_copy(gidx.at[wid, pl.ds((j + 1) * NBUF, NBUF)],
                             gblk.at[nxt], isem.at[nxt])
            pltpu.async_copy(sidx.at[wid, pl.ds((j + 1) * NBUF, NBUF)],
                             sblk.at[nxt], isem.at[nxt])
        for b in range(NBUF):
            pltpu.async_copy(table.at[gblk.at[slot, b]], rows.at[b],
                             gsem.at[b])
        for b in range(NBUF):
            pltpu.make_async_copy(table.at[gblk.at[0, 0]], rows.at[b],
                                  gsem.at[b]).wait()
            pltpu.async_copy(rows.at[b], acc.at[sblk.at[slot, b]],
                             ssem.at[0], add=True)
            pltpu.async_copy(ones, accc.at[sblk.at[slot, b]],
                             csem.at[0], add=True)
            pltpu.make_async_copy(rows.at[b], acc.at[gblk.at[0, 0]],
                                  ssem.at[0]).wait()
            pltpu.make_async_copy(ones, accc.at[gblk.at[0, 0]],
                                  csem.at[0]).wait()
        return carry

    lax.fori_loop(0, nsuper, body, 0)

    plsc.subcore_barrier()
    pltpu.sync_copy(acc.at[pl.ds(si * rps, rps)],
                    out.at[ci, pl.ds(si * rps, rps)])
    pltpu.sync_copy(accc.at[pl.ds(si * rps, rps)],
                    outc.at[ci, pl.ds(si * rps, rps)])


@functools.cache
def _make_sc_pass(npad, c, e):
    ew = e // NW
    chunks = ew // K
    nsuper = chunks // NBUF
    assert ew % K == 0 and chunks % NBUF == 0 and npad % (8 * NS) == 0
    body = functools.partial(_sc_pass_body, npad, c, nsuper)
    return pl.kernel(
        body,
        out_type=(jax.ShapeDtypeStruct((NC, npad, c), jnp.float32),
                  jax.ShapeDtypeStruct((NC, npad, CC), jnp.float32)),
        mesh=plsc.VectorSubcoreMesh(core_axis_name="c", subcore_axis_name="s",
                                    num_cores=NC, num_subcores=NS),
        scratch_types=[
            pltpu.VMEM((2, NBUF, K), jnp.int32),
            pltpu.VMEM((2, NBUF, K), jnp.int32),
            pltpu.VMEM((NBUF, K, c), jnp.float32),
            pltpu.VMEM((K, CC), jnp.float32),
            pltpu.VMEM_SHARED((npad, c), jnp.float32),
            pltpu.VMEM_SHARED((npad, CC), jnp.float32),
            pltpu.SemaphoreType.DMA((NBUF,)),
            pltpu.SemaphoreType.DMA((NBUF,)),
            pltpu.SemaphoreType.DMA((NBUF,)),
            pltpu.SemaphoreType.DMA((2,)),
        ],
        compiler_params=pltpu.CompilerParams(use_tc_tiling_on_sc=False),
    )



def kernel(edge_index, emb, W_hg, b_hg, W_lin, b_lin):
    n, c = emb.shape
    e = edge_index.shape[1]
    brp = 1024
    npad = -(-n // brp) * brp
    assert npad % (8 * NS) == 0
    gridp = npad // brp
    ep = -(-e // (NW * K * NBUF)) * (NW * K * NBUF)
    ew = ep // NW

    pad = jnp.full((ep - e,), npad - 1, jnp.int32)
    node_idx = jnp.concatenate([edge_index[0], pad]).reshape(NW, ew // K, K)
    hedge_idx = jnp.concatenate([edge_index[1], pad]).reshape(NW, ew // K, K)
    emb_pad = jnp.zeros((npad, c), jnp.float32).at[:n].set(emb)
    zrows = jnp.zeros((npad, c), jnp.float32)
    zcnt = jnp.zeros((npad, CC), jnp.float32)
    onesrc = jnp.ones((K, CC), jnp.float32)

    sc_pass = _make_sc_pass(npad, c, ep)

    part1, cnt1 = sc_pass(node_idx, hedge_idx, emb_pad, onesrc, zrows, zcnt)

    ef = pl.pallas_call(
        _combine_body,
        grid=(gridp,),
        in_specs=[pl.BlockSpec((brp, c), lambda i: (i, 0)),
                  pl.BlockSpec((brp, c), lambda i: (i, 0)),
                  pl.BlockSpec((brp, CC), lambda i: (i, 0)),
                  pl.BlockSpec((brp, CC), lambda i: (i, 0))],
        out_specs=pl.BlockSpec((brp, c), lambda i: (i, 0)),
        out_shape=jax.ShapeDtypeStruct((npad, c), jnp.float32),
    )(part1[0], part1[1], cnt1[0], cnt1[1])

    part2, cnt2 = sc_pass(hedge_idx, node_idx, ef, onesrc, zrows, zcnt)

    out = pl.pallas_call(
        functools.partial(_finish_body, n),
        grid=(gridp,),
        in_specs=[pl.BlockSpec((brp, c), lambda i: (i, 0)),
                  pl.BlockSpec((brp, c), lambda i: (i, 0)),
                  pl.BlockSpec((brp, CC), lambda i: (i, 0)),
                  pl.BlockSpec((brp, CC), lambda i: (i, 0)),
                  pl.BlockSpec((c, c), lambda i: (0, 0)),
                  pl.BlockSpec((1, c), lambda i: (0, 0)),
                  pl.BlockSpec((c, c), lambda i: (0, 0)),
                  pl.BlockSpec((1, c), lambda i: (0, 0))],
        out_specs=pl.BlockSpec((c, c), lambda i: (0, 0)),
        out_shape=jax.ShapeDtypeStruct((c, c), jnp.float32),
        scratch_shapes=[pltpu.VMEM((c, c), jnp.float32)],
    )(part2[0], part2[1], cnt2[0], cnt2[1], W_hg, b_hg.reshape(1, c),
      W_lin, b_lin.reshape(1, c))

    return out

# --- scband reference (transcript-rebuilt; emitter-appended) ---
"""Pipeline reference for scband-node2-vec-hypergraph-conv-40638980555154 (READ-ONLY COPY).

The authoritative reference and input builder live on the scoring server;
editing this copy changes nothing except your own understanding.
"""

import jax, jax.numpy as jnp
import numpy as np

N = 10000   # num_nodes
C = 128     # channels
E = 320000  # nnz incidence entries


def leaky_relu(x, slope=0.01):
    return jnp.where(x >= 0, x, slope * x)


def setup_inputs(seed: int = 0) -> dict:
    key = jax.random.key(seed)
    k1, k2, k3, k4 = jax.random.split(key, 4)
    # forward arg
    edge_index = jax.random.randint(k1, (2, E), 0, N, dtype=jnp.int32)
    # learned parameters
    # Node2Vec embedding table (forward() with no args returns embedding.weight)
    emb = jax.random.normal(k2, (N, C), dtype=jnp.float32)
    # HypergraphConv: lin = Linear(C, C, bias=False), plus output bias
    W_hg = jax.random.normal(k3, (C, C), dtype=jnp.float32) * (1.0 / np.sqrt(C))
    b_hg = jnp.zeros((C,), dtype=jnp.float32)
    # final nn.Linear(C, C)
    W_lin = jax.random.normal(k4, (C, C), dtype=jnp.float32) * (1.0 / np.sqrt(C))
    b_lin = jnp.zeros((C,), dtype=jnp.float32)
    return {"edge_index": edge_index, "emb": emb, "W_hg": W_hg, "b_hg": b_hg,
            "W_lin": W_lin, "b_lin": b_lin}


def reference(edge_index, emb, W_hg, b_hg, W_lin, b_lin):
    node_idx = edge_index[0]
    hedge_idx = edge_index[1]
    num_edges = N  # indices are drawn in [0, N); PyG uses max(hyperedge_index[1])+1

    # y = node2vec() -> embedding table
    x = emb

    # HypergraphConv (use_attention=False, heads=1):
    x = x @ W_hg.T  # self.lin(x), no bias

    hyperedge_weight = jnp.ones((num_edges,), dtype=x.dtype)
    # D = scatter_add(weight[hedge], node, dim_size=N); D = 1/D, inf -> 0
    D = jnp.zeros((N,), dtype=x.dtype).at[node_idx].add(hyperedge_weight[hedge_idx])
    D = jnp.where(D > 0, 1.0 / D, 0.0)
    # B = scatter_add(ones, hedge, dim_size=num_edges); B = 1/B, inf -> 0
    B = jnp.zeros((num_edges,), dtype=x.dtype).at[hedge_idx].add(jnp.ones((E,), dtype=x.dtype))
    B = jnp.where(B > 0, 1.0 / B, 0.0)

    # propagate 1: node -> hyperedge, message = B[dst_edge] * x[src_node]
    msg1 = x[node_idx] * B[hedge_idx][:, None]
    edge_feat = jnp.zeros((num_edges, C), dtype=x.dtype).at[hedge_idx].add(msg1)

    # propagate 2: hyperedge -> node, message = D[dst_node] * edge_feat[src_edge]
    msg2 = edge_feat[hedge_idx] * D[node_idx][:, None]
    out = jnp.zeros((N, C), dtype=x.dtype).at[node_idx].add(msg2)

    out = out + b_hg  # HypergraphConv bias

    y = leaky_relu(out)          # [N, C]
    y = y.T @ y                  # [C, C]
    y = y @ W_lin.T + b_lin      # nn.Linear
    y = leaky_relu(y)
    return y


if False:  # reference __main__ guard neutralized (emitter)
    inp = setup_inputs()
    o = reference(**inp)
    print(o.shape, o.dtype)

if __name__ == "__main__":
    import jax
    _d = setup_inputs()
    print(jax.jit(kernel)(*tuple(_d.values())))

</pallas_src>

<mosaic_0001>
#map = affine_map<(d0, d1) -> (0, 0, 0)>
#map1 = affine_map<(d0, d1) -> (0, 0)>
module attributes {stable_mosaic.version = 14 : i64} {
  func.func @_sc_pass_body(%arg0: i32, %arg1: i32, %arg2: memref<32x79x128xi32, #tpu.memory_space<hbm>>, %arg3: memref<32x79x128xi32, #tpu.memory_space<hbm>>, %arg4: memref<10240x128xf32, #tpu.memory_space<hbm>>, %arg5: memref<128x16xf32, #tpu.memory_space<hbm>>, %arg6: memref<10240x128xf32, #tpu.memory_space<hbm>>, %arg7: memref<10240x16xf32, #tpu.memory_space<hbm>>, %arg8: memref<2x10240x128xf32, #tpu.memory_space<hbm>>, %arg9: memref<2x10240x16xf32, #tpu.memory_space<hbm>>, %arg10: memref<2x1x128xi32, #tpu.memory_space<vmem>>, %arg11: memref<2x1x128xi32, #tpu.memory_space<vmem>>, %arg12: memref<1x128x128xf32, #tpu.memory_space<vmem>>, %arg13: memref<128x16xf32, #tpu.memory_space<vmem>>, %arg14: memref<10240x128xf32, #tpu.memory_space<vmem_shared>>, %arg15: memref<10240x16xf32, #tpu.memory_space<vmem_shared>>, %arg16: memref<1x!tpu.dma_semaphore, #tpu.memory_space<semaphore_mem>>, %arg17: memref<1x!tpu.dma_semaphore, #tpu.memory_space<semaphore_mem>>, %arg18: memref<1x!tpu.dma_semaphore, #tpu.memory_space<semaphore_mem>>, %arg19: memref<2x!tpu.dma_semaphore, #tpu.memory_space<semaphore_mem>>) attributes {dimension_semantics = [#tpu.dimension_semantics<core_parallel>, #tpu.dimension_semantics<subcore_parallel>], iteration_bounds = array<i64: 2, 16>, scalar_prefetch = 0 : i64, scratch_operands = 10 : i64, tpu.core_type = #tpu.core_type<sc_vector_subcore>, window_params = [{transform_indices = #map}, {transform_indices = #map}, {transform_indices = #map1}, {transform_indices = #map1}, {transform_indices = #map1}, {transform_indices = #map1}, {transform_indices = #map}, {transform_indices = #map}]} {
    %mul3A = arith.constant 2 : i32
    %mul3A_0 = arith.muli %arg1, %mul3A : i32
    %add3A = arith.addi %mul3A_0, %arg0 : i32
    "tpu.region"() ({
      %run_scoped3A = tpu.sem_alloc : memref<!tpu.dma_semaphore, #tpu.memory_space<semaphore_mem>>
      tpu.enqueue_dma source(%arg5 : memref<128x16xf32, #tpu.memory_space<hbm>>) target(%arg13 : memref<128x16xf32, #tpu.memory_space<vmem>>) target_semaphore(%run_scoped3A : memref<!tpu.dma_semaphore, #tpu.memory_space<semaphore_mem>>)
      tpu.wait_dma2 semaphore(%run_scoped3A : memref<!tpu.dma_semaphore, #tpu.memory_space<semaphore_mem>>) src(%arg5 : memref<128x16xf32, #tpu.memory_space<hbm>>) dst(%arg13 : memref<128x16xf32, #tpu.memory_space<vmem>>)
      tpu.yield
    }) : () -> ()
    %dma_start3A = arith.constant 0 : i32
    %dma_start3A_1 = arith.constant 0 : i32
    %dma_start3A_2 = arith.constant 0 : i32
    %dma_start3A_3 = arith.constant 0 : i32
    %dma_start3A_4 = tpu.memref_slice %arg10[%dma_start3A, %dma_start3A_2, %dma_start3A_3] : memref<2x1x128xi32, #tpu.memory_space<vmem>> -> memref<1x1x128xi32, #tpu.memory_space<vmem>>
    %dma_start3A_5 = tpu.memref_squeeze %dma_start3A_4 : memref<1x1x128xi32, #tpu.memory_space<vmem>> -> memref<1x128xi32, #tpu.memory_space<vmem>>
    %dma_start3A_6 = arith.constant 0 : i32
    %dma_start3A_7 = arith.constant 0 : i32
    %dma_start3A_8 = tpu.memref_slice %arg2[%add3A, %dma_start3A_6, %dma_start3A_7] : memref<32x79x128xi32, #tpu.memory_space<hbm>> -> memref<1x1x128xi32, #tpu.memory_space<hbm>>
    %dma_start3A_9 = tpu.memref_squeeze %dma_start3A_8 : memref<1x1x128xi32, #tpu.memory_space<hbm>> -> memref<1x128xi32, #tpu.memory_space<hbm>>
    %dma_start3A_10 = tpu.memref_slice %arg19[%dma_start3A_1] : memref<2x!tpu.dma_semaphore, #tpu.memory_space<semaphore_mem>> -> memref<1x!tpu.dma_semaphore, #tpu.memory_space<semaphore_mem>>
    %dma_start3A_11 = tpu.memref_squeeze %dma_start3A_10 : memref<1x!tpu.dma_semaphore, #tpu.memory_space<semaphore_mem>> -> memref<!tpu.dma_semaphore, #tpu.memory_space<semaphore_mem>>
    %dma_start3A_12 = arith.constant 0 : i32
    %dma_start3A_13 = arith.constant 0 : i32
    %dma_start3A_14 = tpu.memref_slice %arg10[%dma_start3A, %dma_start3A_12, %dma_start3A_13] : memref<2x1x128xi32, #tpu.memory_space<vmem>> -> memref<1x1x128xi32, #tpu.memory_space<vmem>>
    %dma_start3A_15 = tpu.memref_squeeze %dma_start3A_14 : memref<1x1x128xi32, #tpu.memory_space<vmem>> -> memref<1x128xi32, #tpu.memory_space<vmem>>
    %dma_start3A_16 = arith.constant 0 : i32
    %dma_start3A_17 = arith.constant 0 : i32
    %dma_start3A_18 = tpu.memref_slice %arg2[%add3A, %dma_start3A_16, %dma_start3A_17] : memref<32x79x128xi32, #tpu.memory_space<hbm>> -> memref<1x1x128xi32, #tpu.memory_space<hbm>>
    %dma_start3A_19 = tpu.memref_squeeze %dma_start3A_18 : memref<1x1x128xi32, #tpu.memory_space<hbm>> -> memref<1x128xi32, #tpu.memory_space<hbm>>
    tpu.enqueue_dma source(%dma_start3A_19 : memref<1x128xi32, #tpu.memory_space<hbm>>) target(%dma_start3A_15 : memref<1x128xi32, #tpu.memory_space<vmem>>) target_semaphore(%dma_start3A_11 : memref<!tpu.dma_semaphore, #tpu.memory_space<semaphore_mem>>)
    %dma_start3A_20 = arith.constant 0 : i32
    %dma_start3A_21 = arith.constant 0 : i32
    %dma_start3A_22 = arith.constant 0 : i32
    %dma_start3A_23 = arith.constant 0 : i32
    %dma_start3A_24 = tpu.memref_slice %arg11[%dma_start3A_20, %dma_start3A_22, %dma_start3A_23] : memref<2x1x128xi32, #tpu.memory_space<vmem>> -> memref<1x1x128xi32, #tpu.memory_space<vmem>>
    %dma_start3A_25 = tpu.memref_squeeze %dma_start3A_24 : memref<1x1x128xi32, #tpu.memory_space<vmem>> -> memref<1x128xi32, #tpu.memory_space<vmem>>
    %dma_start3A_26 = arith.constant 0 : i32
    %dma_start3A_27 = arith.constant 0 : i32
    %dma_start3A_28 = tpu.memref_slice %arg3[%add3A, %dma_start3A_26, %dma_start3A_27] : memref<32x79x128xi32, #tpu.memory_space<hbm>> -> memref<1x1x128xi32, #tpu.memory_space<hbm>>
    %dma_start3A_29 = tpu.memref_squeeze %dma_start3A_28 : memref<1x1x128xi32, #tpu.memory_space<hbm>> -> memref<1x128xi32, #tpu.memory_space<hbm>>
    %dma_start3A_30 = tpu.memref_slice %arg19[%dma_start3A_21] : memref<2x!tpu.dma_semaphore, #tpu.memory_space<semaphore_mem>> -> memref<1x!tpu.dma_semaphore, #tpu.memory_space<semaphore_mem>>
    %dma_start3A_31 = tpu.memref_squeeze %dma_start3A_30 : memref<1x!tpu.dma_semaphore, #tpu.memory_space<semaphore_mem>> -> memref<!tpu.dma_semaphore, #tpu.memory_space<semaphore_mem>>
    %dma_start3A_32 = arith.constant 0 : i32
    %dma_start3A_33 = arith.constant 0 : i32
    %dma_start3A_34 = tpu.memref_slice %arg11[%dma_start3A_20, %dma_start3A_32, %dma_start3A_33] : memref<2x1x128xi32, #tpu.memory_space<vmem>> -> memref<1x1x128xi32, #tpu.memory_space<vmem>>
    %dma_start3A_35 = tpu.memref_squeeze %dma_start3A_34 : memref<1x1x128xi32, #tpu.memory_space<vmem>> -> memref<1x128xi32, #tpu.memory_space<vmem>>
    %dma_start3A_36 = arith.constant 0 : i32
    %dma_start3A_37 = arith.constant 0 : i32
    %dma_start3A_38 = tpu.memref_slice %arg3[%add3A, %dma_start3A_36, %dma_start3A_37] : memref<32x79x128xi32, #tpu.memory_space<hbm>> -> memref<1x1x128xi32, #tpu.memory_space<hbm>>
    %dma_start3A_39 = tpu.memref_squeeze %dma_start3A_38 : memref<1x1x128xi32, #tpu.memory_space<hbm>> -> memref<1x128xi32, #tpu.memory_space<hbm>>
    tpu.enqueue_dma source(%dma_start3A_39 : memref<1x128xi32, #tpu.memory_space<hbm>>) target(%dma_start3A_35 : memref<1x128xi32, #tpu.memory_space<vmem>>) target_semaphore(%dma_start3A_31 : memref<!tpu.dma_semaphore, #tpu.memory_space<semaphore_mem>>)
    %mul3A_40 = arith.constant 640 : i32
    %mul3A_41 = arith.muli %arg1, %mul3A_40 : i32
    %mul3A_42 = arith.constant 640 : i32
    %mul3A_43 = arith.muli %arg1, %mul3A_42 : i32
    "tpu.region"() ({
      %run_scoped3A = tpu.sem_alloc : memref<!tpu.dma_semaphore, #tpu.memory_space<semaphore_mem>>
      %dma_start3A_62 = arith.constant 0 : i32
      %dma_start3A_63 = tpu.memref_slice %arg14[%mul3A_43, %dma_start3A_62] : memref<10240x128xf32, #tpu.memory_space<vmem_shared>> -> memref<640x128xf32, #tpu.memory_space<vmem_shared>>
      %dma_start3A_64 = arith.constant 0 : i32
      %dma_start3A_65 = tpu.memref_slice %arg6[%mul3A_41, %dma_start3A_64] : memref<10240x128xf32, #tpu.memory_space<hbm>> -> memref<640x128xf32, #tpu.memory_space<hbm>>
      tpu.enqueue_dma source(%dma_start3A_65 : memref<640x128xf32, #tpu.memory_space<hbm>>) target(%dma_start3A_63 : memref<640x128xf32, #tpu.memory_space<vmem_shared>>) target_semaphore(%run_scoped3A : memref<!tpu.dma_semaphore, #tpu.memory_space<semaphore_mem>>)
      %dma_wait3A = arith.constant 0 : i32
      %dma_wait3A_66 = tpu.memref_slice %arg14[%mul3A_43, %dma_wait3A] : memref<10240x128xf32, #tpu.memory_space<vmem_shared>> -> memref<640x128xf32, #tpu.memory_space<vmem_shared>>
      %dma_wait3A_67 = arith.constant 0 : i32
      %dma_wait3A_68 = tpu.memref_slice %arg6[%mul3A_41, %dma_wait3A_67] : memref<10240x128xf32, #tpu.memory_space<hbm>> -> memref<640x128xf32, #tpu.memory_space<hbm>>
      tpu.wait_dma2 semaphore(%run_scoped3A : memref<!tpu.dma_semaphore, #tpu.memory_space<semaphore_mem>>) src(%dma_wait3A_68 : memref<640x128xf32, #tpu.memory_space<hbm>>) dst(%dma_wait3A_66 : memref<640x128xf32, #tpu.memory_space<vmem_shared>>)
      tpu.yield
    }) : () -> ()
    %mul3A_44 = arith.constant 640 : i32
    %mul3A_45 = arith.muli %arg1, %mul3A_44 : i32
    %mul3A_46 = arith.constant 640 : i32
    %mul3A_47 = arith.muli %arg1, %mul3A_46 : i32
    "tpu.region"() ({
      %run_scoped3A = tpu.sem_alloc : memref<!tpu.dma_semaphore, #tpu.memory_space<semaphore_mem>>
      %dma_start3A_62 = arith.constant 0 : i32
      %dma_start3A_63 = tpu.memref_slice %arg15[%mul3A_47, %dma_start3A_62] : memref<10240x16xf32, #tpu.memory_space<vmem_shared>> -> memref<640x16xf32, #tpu.memory_space<vmem_shared>>
      %dma_start3A_64 = arith.constant 0 : i32
      %dma_start3A_65 = tpu.memref_slice %arg7[%mul3A_45, %dma_start3A_64] : memref<10240x16xf32, #tpu.memory_space<hbm>> -> memref<640x16xf32, #tpu.memory_space<hbm>>
      tpu.enqueue_dma source(%dma_start3A_65 : memref<640x16xf32, #tpu.memory_space<hbm>>) target(%dma_start3A_63 : memref<640x16xf32, #tpu.memory_space<vmem_shared>>) target_semaphore(%run_scoped3A : memref<!tpu.dma_semaphore, #tpu.memory_space<semaphore_mem>>)
      %dma_wait3A = arith.constant 0 : i32
      %dma_wait3A_66 = tpu.memref_slice %arg15[%mul3A_47, %dma_wait3A] : memref<10240x16xf32, #tpu.memory_space<vmem_shared>> -> memref<640x16xf32, #tpu.memory_space<vmem_shared>>
      %dma_wait3A_67 = arith.constant 0 : i32
      %dma_wait3A_68 = tpu.memref_slice %arg7[%mul3A_45, %dma_wait3A_67] : memref<10240x16xf32, #tpu.memory_space<hbm>> -> memref<640x16xf32, #tpu.memory_space<hbm>>
      tpu.wait_dma2 semaphore(%run_scoped3A : memref<!tpu.dma_semaphore, #tpu.memory_space<semaphore_mem>>) src(%dma_wait3A_68 : memref<640x16xf32, #tpu.memory_space<hbm>>) dst(%dma_wait3A_66 : memref<640x16xf32, #tpu.memory_space<vmem_shared>>)
      tpu.yield
    }) : () -> ()
    %barrier3A = arith.constant 0 : index
    tpu.barrier barrier_id(%barrier3A)
    %scan3A = arith.constant 0 : i32
    %scan3A_48 = arith.constant 0 : i32
    %scan3A_49 = arith.constant 79 : i32
    %scan3A_50 = arith.addi %scan3A_48, %scan3A_49 : i32
    %scan3A_51 = arith.constant 1 : i32
    scf.for %scan3A_62 = %scan3A_48 to %scan3A_50 step %scan3A_51  : i32 {
      %rem3A = arith.constant 2 : i32
      %rem3A_63 = arith.remsi %scan3A_62, %rem3A : i32
      %add3A_64 = arith.constant 1 : i32
      %add3A_65 = arith.addi %scan3A_62, %add3A_64 : i32
      %rem3A_66 = arith.constant 2 : i32
      %rem3A_67 = arith.remsi %add3A_65, %rem3A_66 : i32
      %dma_wait3A = arith.constant 0 : i32
      %dma_wait3A_68 = arith.constant 0 : i32
      %dma_wait3A_69 = arith.constant 0 : i32
      %dma_wait3A_70 = tpu.memref_slice %arg10[%rem3A_63, %dma_wait3A_68, %dma_wait3A_69] : memref<2x1x128xi32, #tpu.memory_space<vmem>> -> memref<1x1x128xi32, #tpu.memory_space<vmem>>
      %dma_wait3A_71 = tpu.memref_squeeze %dma_wait3A_70 : memref<1x1x128xi32, #tpu.memory_space<vmem>> -> memref<1x128xi32, #tpu.memory_space<vmem>>
      %dma_wait3A_72 = arith.constant 0 : i32
      %dma_wait3A_73 = arith.constant 0 : i32
      %dma_wait3A_74 = tpu.memref_slice %arg2[%dma_wait3A, %dma_wait3A_72, %dma_wait3A_73] : memref<32x79x128xi32, #tpu.memory_space<hbm>> -> memref<1x1x128xi32, #tpu.memory_space<hbm>>
      %dma_wait3A_75 = tpu.memref_squeeze %dma_wait3A_74 : memref<1x1x128xi32, #tpu.memory_space<hbm>> -> memref<1x128xi32, #tpu.memory_space<hbm>>
      %dma_wait3A_76 = tpu.memref_slice %arg19[%rem3A_63] : memref<2x!tpu.dma_semaphore, #tpu.memory_space<semaphore_mem>> -> memref<1x!tpu.dma_semaphore, #tpu.memory_space<semaphore_mem>>
      %dma_wait3A_77 = tpu.memref_squeeze %dma_wait3A_76 : memref<1x!tpu.dma_semaphore, #tpu.memory_space<semaphore_mem>> -> memref<!tpu.dma_semaphore, #tpu.memory_space<semaphore_mem>>
      %dma_wait3A_78 = arith.constant 0 : i32
      %dma_wait3A_79 = arith.constant 0 : i32
      %dma_wait3A_80 = tpu.memref_slice %arg10[%rem3A_63, %dma_wait3A_78, %dma_wait3A_79] : memref<2x1x128xi32, #tpu.memory_space<vmem>> -> memref<1x1x128xi32, #tpu.memory_space<vmem>>
      %dma_wait3A_81 = tpu.memref_squeeze %dma_wait3A_80 : memref<1x1x128xi32, #tpu.memory_space<vmem>> -> memref<1x128xi32, #tpu.memory_space<vmem>>
      %dma_wait3A_82 = arith.constant 0 : i32
      %dma_wait3A_83 = arith.constant 0 : i32
      %dma_wait3A_84 = tpu.memref_slice %arg2[%dma_wait3A, %dma_wait3A_82, %dma_wait3A_83] : memref<32x79x128xi32, #tpu.memory_space<hbm>> -> memref<1x1x128xi32, #tpu.memory_space<hbm>>
      %dma_wait3A_85 = tpu.memref_squeeze %dma_wait3A_84 : memref<1x1x128xi32, #tpu.memory_space<hbm>> -> memref<1x128xi32, #tpu.memory_space<hbm>>
      tpu.wait_dma2 semaphore(%dma_wait3A_77 : memref<!tpu.dma_semaphore, #tpu.memory_space<semaphore_mem>>) src(%dma_wait3A_85 : memref<1x128xi32, #tpu.memory_space<hbm>>) dst(%dma_wait3A_81 : memref<1x128xi32, #tpu.memory_space<vmem>>)
      %dma_wait3A_86 = arith.constant 0 : i32
      %dma_wait3A_87 = arith.constant 0 : i32
      %dma_wait3A_88 = arith.constant 0 : i32
      %dma_wait3A_89 = tpu.memref_slice %arg11[%rem3A_63, %dma_wait3A_87, %dma_wait3A_88] : memref<2x1x128xi32, #tpu.memory_space<vmem>> -> memref<1x1x128xi32, #tpu.memory_space<vmem>>
      %dma_wait3A_90 = tpu.memref_squeeze %dma_wait3A_89 : memref<1x1x128xi32, #tpu.memory_space<vmem>> -> memref<1x128xi32, #tpu.memory_space<vmem>>
      %dma_wait3A_91 = arith.constant 0 : i32
      %dma_wait3A_92 = arith.constant 0 : i32
      %dma_wait3A_93 = tpu.memref_slice %arg3[%dma_wait3A_86, %dma_wait3A_91, %dma_wait3A_92] : memref<32x79x128xi32, #tpu.memory_space<hbm>> -> memref<1x1x128xi32, #tpu.memory_space<hbm>>
      %dma_wait3A_94 = tpu.memref_squeeze %dma_wait3A_93 : memref<1x1x128xi32, #tpu.memory_space<hbm>> -> memref<1x128xi32, #tpu.memory_space<hbm>>
      %dma_wait3A_95 = tpu.memref_slice %arg19[%rem3A_63] : memref<2x!tpu.dma_semaphore, #tpu.memory_space<semaphore_mem>> -> memref<1x!tpu.dma_semaphore, #tpu.memory_space<semaphore_mem>>
      %dma_wait3A_96 = tpu.memref_squeeze %dma_wait3A_95 : memref<1x!tpu.dma_semaphore, #tpu.memory_space<semaphore_mem>> -> memref<!tpu.dma_semaphore, #tpu.memory_space<semaphore_mem>>
      %dma_wait3A_97 = arith.constant 0 : i32
      %dma_wait3A_98 = arith.constant 0 : i32
      %dma_wait3A_99 = tpu.memref_slice %arg11[%rem3A_63, %dma_wait3A_97, %dma_wait3A_98] : memref<2x1x128xi32, #tpu.memory_space<vmem>> -> memref<1x1x128xi32, #tpu.memory_space<vmem>>
      %dma_wait3A_100 = tpu.memref_squeeze %dma_wait3A_99 : memref<1x1x128xi32, #tpu.memory_space<vmem>> -> memref<1x128xi32, #tpu.memory_space<vmem>>
      %dma_wait3A_101 = arith.constant 0 : i32
      %dma_wait3A_102 = arith.constant 0 : i32
      %dma_wait3A_103 = tpu.memref_slice %arg3[%dma_wait3A_86, %dma_wait3A_101, %dma_wait3A_102] : memref<32x79x128xi32, #tpu.memory_space<hbm>> -> memref<1x1x128xi32, #tpu.memory_space<hbm>>
      %dma_wait3A_104 = tpu.memref_squeeze %dma_wait3A_103 : memref<1x1x128xi32, #tpu.memory_space<hbm>> -> memref<1x128xi32, #tpu.memory_space<hbm>>
      tpu.wait_dma2 semaphore(%dma_wait3A_96 : memref<!tpu.dma_semaphore, #tpu.memory_space<semaphore_mem>>) src(%dma_wait3A_104 : memref<1x128xi32, #tpu.memory_space<hbm>>) dst(%dma_wait3A_100 : memref<1x128xi32, #tpu.memory_space<vmem>>)
      %add3A_105 = arith.constant 1 : i32
      %add3A_106 = arith.addi %scan3A_62, %add3A_105 : i32
      %lt3A = arith.constant 79 : i32
      %lt3A_107 = arith.cmpi slt, %add3A_106, %lt3A : i32
      %convert_element_type3A = arith.extui %lt3A_107 : i1 to i32
      %cond3A = arith.constant 0 : i32
      %cond3A_108 = arith.cmpi ne, %convert_element_type3A, %cond3A : i32
      scf.if %cond3A_108 {
        %add3A_192 = arith.constant 1 : i32
        %add3A_193 = arith.addi %scan3A_62, %add3A_192 : i32
        %mul3A_194 = arith.constant 1 : i32
        %mul3A_195 = arith.muli %add3A_193, %mul3A_194 : i32
        %dma_start3A_196 = arith.constant 0 : i32
        %dma_start3A_197 = arith.constant 0 : i32
        %dma_start3A_198 = tpu.memref_slice %arg10[%rem3A_67, %dma_start3A_196, %dma_start3A_197] : memref<2x1x128xi32, #tpu.memory_space<vmem>> -> memref<1x1x128xi32, #tpu.memory_space<vmem>>
        %dma_start3A_199 = tpu.memref_squeeze %dma_start3A_198 : memref<1x1x128xi32, #tpu.memory_space<vmem>> -> memref<1x128xi32, #tpu.memory_space<vmem>>
        %dma_start3A_200 = arith.constant 0 : i32
        %dma_start3A_201 = tpu.memref_slice %arg2[%add3A, %mul3A_195, %dma_start3A_200] : memref<32x79x128xi32, #tpu.memory_space<hbm>> -> memref<1x1x128xi32, #tpu.memory_space<hbm>>
        %dma_start3A_202 = tpu.memref_squeeze %dma_start3A_201 : memref<1x1x128xi32, #tpu.memory_space<hbm>> -> memref<1x128xi32, #tpu.memory_space<hbm>>
        %dma_start3A_203 = tpu.memref_slice %arg19[%rem3A_67] : memref<2x!tpu.dma_semaphore, #tpu.memory_space<semaphore_mem>> -> memref<1x!tpu.dma_semaphore, #tpu.memory_space<semaphore_mem>>
        %dma_start3A_204 = tpu.memref_squeeze %dma_start3A_203 : memref<1x!tpu.dma_semaphore, #tpu.memory_space<semaphore_mem>> -> memref<!tpu.dma_semaphore, #tpu.memory_space<semaphore_mem>>
        %dma_start3A_205 = arith.constant 0 : i32
        %dma_start3A_206 = arith.constant 0 : i32
        %dma_start3A_207 = tpu.memref_slice %arg10[%rem3A_67, %dma_start3A_205, %dma_start3A_206] : memref<2x1x128xi32, #tpu.memory_space<vmem>> -> memref<1x1x128xi32, #tpu.memory_space<vmem>>
        %dma_start3A_208 = tpu.memref_squeeze %dma_start3A_207 : memref<1x1x128xi32, #tpu.memory_space<vmem>> -> memref<1x128xi32, #tpu.memory_space<vmem>>
        %dma_start3A_209 = arith.constant 0 : i32
        %dma_start3A_210 = tpu.memref_slice %arg2[%add3A, %mul3A_195, %dma_start3A_209] : memref<32x79x128xi32, #tpu.memory_space<hbm>> -> memref<1x1x128xi32, #tpu.memory_space<hbm>>
        %dma_start3A_211 = tpu.memref_squeeze %dma_start3A_210 : memref<1x1x128xi32, #tpu.memory_space<hbm>> -> memref<1x128xi32, #tpu.memory_space<hbm>>
        tpu.enqueue_dma source(%dma_start3A_211 : memref<1x128xi32, #tpu.memory_space<hbm>>) target(%dma_start3A_208 : memref<1x128xi32, #tpu.memory_space<vmem>>) target_semaphore(%dma_start3A_204 : memref<!tpu.dma_semaphore, #tpu.memory_space<semaphore_mem>>)
        %add3A_212 = arith.constant 1 : i32
        %add3A_213 = arith.addi %scan3A_62, %add3A_212 : i32
        %mul3A_214 = arith.constant 1 : i32
        %mul3A_215 = arith.muli %add3A_213, %mul3A_214 : i32
        %dma_start3A_216 = arith.constant 0 : i32
        %dma_start3A_217 = arith.constant 0 : i32
        %dma_start3A_218 = tpu.memref_slice %arg11[%rem3A_67, %dma_start3A_216, %dma_start3A_217] : memref<2x1x128xi32, #tpu.memory_space<vmem>> -> memref<1x1x128xi32, #tpu.memory_space<vmem>>
        %dma_start3A_219 = tpu.memref_squeeze %dma_start3A_218 : memref<1x1x128xi32, #tpu.memory_space<vmem>> -> memref<1x128xi32, #tpu.memory_space<vmem>>
        %dma_start3A_220 = arith.constant 0 : i32
        %dma_start3A_221 = tpu.memref_slice %arg3[%add3A, %mul3A_215, %dma_start3A_220] : memref<32x79x128xi32, #tpu.memory_space<hbm>> -> memref<1x1x128xi32, #tpu.memory_space<hbm>>
        %dma_start3A_222 = tpu.memref_squeeze %dma_start3A_221 : memref<1x1x128xi32, #tpu.memory_space<hbm>> -> memref<1x128xi32, #tpu.memory_space<hbm>>
        %dma_start3A_223 = tpu.memref_slice %arg19[%rem3A_67] : memref<2x!tpu.dma_semaphore, #tpu.memory_space<semaphore_mem>> -> memref<1x!tpu.dma_semaphore, #tpu.memory_space<semaphore_mem>>
        %dma_start3A_224 = tpu.memref_squeeze %dma_start3A_223 : memref<1x!tpu.dma_semaphore, #tpu.memory_space<semaphore_mem>> -> memref<!tpu.dma_semaphore, #tpu.memory_space<semaphore_mem>>
        %dma_start3A_225 = arith.constant 0 : i32
        %dma_start3A_226 = arith.constant 0 : i32
        %dma_start3A_227 = tpu.memref_slice %arg11[%rem3A_67, %dma_start3A_225, %dma_start3A_226] : memref<2x1x128xi32, #tpu.memory_space<vmem>> -> memref<1x1x128xi32, #tpu.memory_space<vmem>>
        %dma_start3A_228 = tpu.memref_squeeze %dma_start3A_227 : memref<1x1x128xi32, #tpu.memory_space<vmem>> -> memref<1x128xi32, #tpu.memory_space<vmem>>
        %dma_start3A_229 = arith.constant 0 : i32
        %dma_start3A_230 = tpu.memref_slice %arg3[%add3A, %mul3A_215, %dma_start3A_229] : memref<32x79x128xi32, #tpu.memory_space<hbm>> -> memref<1x1x128xi32, #tpu.memory_space<hbm>>
        %dma_start3A_231 = tpu.memref_squeeze %dma_start3A_230 : memref<1x1x128xi32, #tpu.memory_space<hbm>> -> memref<1x128xi32, #tpu.memory_space<hbm>>
        tpu.enqueue_dma source(%dma_start3A_231 : memref<1x128xi32, #tpu.memory_space<hbm>>) target(%dma_start3A_228 : memref<1x128xi32, #tpu.memory_space<vmem>>) target_semaphore(%dma_start3A_224 : memref<!tpu.dma_semaphore, #tpu.memory_space<semaphore_mem>>)
      } else {
      }
      %dma_start3A_109 = arith.constant 0 : i32
      %dma_start3A_110 = arith.constant 0 : i32
      %dma_start3A_111 = arith.constant 0 : i32
      %dma_start3A_112 = arith.constant 0 : i32
      %dma_start3A_113 = arith.constant 0 : i32
      %dma_start3A_114 = tpu.memref_slice %arg12[%dma_start3A_110, %dma_start3A_112, %dma_start3A_113] : memref<1x128x128xf32, #tpu.memory_space<vmem>> -> memref<1x128x128xf32, #tpu.memory_space<vmem>>
      %dma_start3A_115 = tpu.memref_squeeze %dma_start3A_114 : memref<1x128x128xf32, #tpu.memory_space<vmem>> -> memref<128x128xf32, #tpu.memory_space<vmem>>
      %dma_start3A_116 = arith.constant 0 : i32
      %dma_start3A_117 = tpu.memref_slice %arg10[%rem3A_63, %dma_start3A_109, %dma_start3A_116] : memref<2x1x128xi32, #tpu.memory_space<vmem>> -> memref<1x1x128xi32, #tpu.memory_space<vmem>>
      %dma_start3A_118 = tpu.memref_squeeze %dma_start3A_117 : memref<1x1x128xi32, #tpu.memory_space<vmem>> -> memref<128xi32, #tpu.memory_space<vmem>>
      %dma_start3A_119 = arith.constant 0 : i32
      %dma_start3A_120 = arith.constant 0 : i32
      %dma_start3A_121 = tpu.memref_slice %arg4[%dma_start3A_119, %dma_start3A_120] : memref<10240x128xf32, #tpu.memory_space<hbm>> -> memref<10240x128xf32, #tpu.memory_space<hbm>>
      %dma_start3A_122 = tpu.memref_slice %arg16[%dma_start3A_111] : memref<1x!tpu.dma_semaphore, #tpu.memory_space<semaphore_mem>> -> memref<1x!tpu.dma_semaphore, #tpu.memory_space<semaphore_mem>>
      %dma_start3A_123 = tpu.memref_squeeze %dma_start3A_122 : memref<1x!tpu.dma_semaphore, #tpu.memory_space<semaphore_mem>> -> memref<!tpu.dma_semaphore, #tpu.memory_space<semaphore_mem>>
      tpu.enqueue_indirect_dma source(%dma_start3A_121 : memref<10240x128xf32, #tpu.memory_space<hbm>>) target(%dma_start3A_115 : memref<128x128xf32, #tpu.memory_space<vmem>>) offsets(%dma_start3A_118 : memref<128xi32, #tpu.memory_space<vmem>>) semaphore(%dma_start3A_123 : memref<!tpu.dma_semaphore, #tpu.memory_space<semaphore_mem>>)
      %dma_wait3A_124 = arith.constant 0 : i32
      %dma_wait3A_125 = arith.constant 0 : i32
      %dma_wait3A_126 = arith.constant 0 : i32
      %dma_wait3A_127 = arith.constant 0 : i32
      %dma_wait3A_128 = arith.constant 0 : i32
      %dma_wait3A_129 = arith.constant 0 : i32
      %dma_wait3A_130 = tpu.memref_slice %arg12[%dma_wait3A_126, %dma_wait3A_128, %dma_wait3A_129] : memref<1x128x128xf32, #tpu.memory_space<vmem>> -> memref<1x128x128xf32, #tpu.memory_space<vmem>>
      %dma_wait3A_131 = tpu.memref_squeeze %dma_wait3A_130 : memref<1x128x128xf32, #tpu.memory_space<vmem>> -> memref<128x128xf32, #tpu.memory_space<vmem>>
      %dma_wait3A_132 = arith.constant 0 : i32
      %dma_wait3A_133 = tpu.memref_slice %arg10[%dma_wait3A_124, %dma_wait3A_125, %dma_wait3A_132] : memref<2x1x128xi32, #tpu.memory_space<vmem>> -> memref<1x1x128xi32, #tpu.memory_space<vmem>>
      %dma_wait3A_134 = tpu.memref_squeeze %dma_wait3A_133 : memref<1x1x128xi32, #tpu.memory_space<vmem>> -> memref<128xi32, #tpu.memory_space<vmem>>
      %dma_wait3A_135 = arith.constant 0 : i32
      %dma_wait3A_136 = arith.constant 0 : i32
      %dma_wait3A_137 = tpu.memref_slice %arg4[%dma_wait3A_135, %dma_wait3A_136] : memref<10240x128xf32, #tpu.memory_space<hbm>> -> memref<10240x128xf32, #tpu.memory_space<hbm>>
      %dma_wait3A_138 = tpu.memref_slice %arg16[%dma_wait3A_127] : memref<1x!tpu.dma_semaphore, #tpu.memory_space<semaphore_mem>> -> memref<1x!tpu.dma_semaphore, #tpu.memory_space<semaphore_mem>>
      %dma_wait3A_139 = tpu.memref_squeeze %dma_wait3A_138 : memref<1x!tpu.dma_semaphore, #tpu.memory_space<semaphore_mem>> -> memref<!tpu.dma_semaphore, #tpu.memory_space<semaphore_mem>>
      tpu.wait_indirect_dma semaphore(%dma_wait3A_139 : memref<!tpu.dma_semaphore, #tpu.memory_space<semaphore_mem>>) src(%dma_wait3A_137 : memref<10240x128xf32, #tpu.memory_space<hbm>>) dst(%dma_wait3A_131 : memref<128x128xf32, #tpu.memory_space<vmem>>)
      %dma_start3A_140 = arith.constant 0 : i32
      %dma_start3A_141 = arith.constant 0 : i32
      %dma_start3A_142 = arith.constant 0 : i32
      %dma_start3A_143 = arith.constant 0 : i32
      %dma_start3A_144 = arith.constant 0 : i32
      %dma_start3A_145 = tpu.memref_slice %arg12[%dma_start3A_140, %dma_start3A_143, %dma_start3A_144] : memref<1x128x128xf32, #tpu.memory_space<vmem>> -> memref<1x128x128xf32, #tpu.memory_space<vmem>>
      %dma_start3A_146 = tpu.memref_squeeze %dma_start3A_145 : memref<1x128x128xf32, #tpu.memory_space<vmem>> -> memref<128x128xf32, #tpu.memory_space<vmem>>
      %dma_start3A_147 = arith.constant 0 : i32
      %dma_start3A_148 = tpu.memref_slice %arg11[%rem3A_63, %dma_start3A_141, %dma_start3A_147] : memref<2x1x128xi32, #tpu.memory_space<vmem>> -> memref<1x1x128xi32, #tpu.memory_space<vmem>>
      %dma_start3A_149 = tpu.memref_squeeze %dma_start3A_148 : memref<1x1x128xi32, #tpu.memory_space<vmem>> -> memref<128xi32, #tpu.memory_space<vmem>>
      %dma_start3A_150 = arith.constant 0 : i32
      %dma_start3A_151 = arith.constant 0 : i32
      %dma_start3A_152 = tpu.memref_slice %arg14[%dma_start3A_150, %dma_start3A_151] : memref<10240x128xf32, #tpu.memory_space<vmem_shared>> -> memref<10240x128xf32, #tpu.memory_space<vmem_shared>>
      %dma_start3A_153 = tpu.memref_slice %arg17[%dma_start3A_142] : memref<1x!tpu.dma_semaphore, #tpu.memory_space<semaphore_mem>> -> memref<1x!tpu.dma_semaphore, #tpu.memory_space<semaphore_mem>>
      %dma_start3A_154 = tpu.memref_squeeze %dma_start3A_153 : memref<1x!tpu.dma_semaphore, #tpu.memory_space<semaphore_mem>> -> memref<!tpu.dma_semaphore, #tpu.memory_space<semaphore_mem>>
      tpu.enqueue_indirect_dma source(%dma_start3A_146 : memref<128x128xf32, #tpu.memory_space<vmem>>) target(%dma_start3A_152 : memref<10240x128xf32, #tpu.memory_space<vmem_shared>>) offsets(%dma_start3A_149 : memref<128xi32, #tpu.memory_space<vmem>>) semaphore(%dma_start3A_154 : memref<!tpu.dma_semaphore, #tpu.memory_space<semaphore_mem>>) {add = true}
      %dma_start3A_155 = arith.constant 0 : i32
      %dma_start3A_156 = arith.constant 0 : i32
      %dma_start3A_157 = arith.constant 0 : i32
      %dma_start3A_158 = tpu.memref_slice %arg11[%rem3A_63, %dma_start3A_155, %dma_start3A_157] : memref<2x1x128xi32, #tpu.memory_space<vmem>> -> memref<1x1x128xi32, #tpu.memory_space<vmem>>
      %dma_start3A_159 = tpu.memref_squeeze %dma_start3A_158 : memref<1x1x128xi32, #tpu.memory_space<vmem>> -> memref<128xi32, #tpu.memory_space<vmem>>
      %dma_start3A_160 = arith.constant 0 : i32
      %dma_start3A_161 = arith.constant 0 : i32
      %dma_start3A_162 = tpu.memref_slice %arg15[%dma_start3A_160, %dma_start3A_161] : memref<10240x16xf32, #tpu.memory_space<vmem_shared>> -> memref<10240x16xf32, #tpu.memory_space<vmem_shared>>
      %dma_start3A_163 = tpu.memref_slice %arg18[%dma_start3A_156] : memref<1x!tpu.dma_semaphore, #tpu.memory_space<semaphore_mem>> -> memref<1x!tpu.dma_semaphore, #tpu.memory_space<semaphore_mem>>
      %dma_start3A_164 = tpu.memref_squeeze %dma_start3A_163 : memref<1x!tpu.dma_semaphore, #tpu.memory_space<semaphore_mem>> -> memref<!tpu.dma_semaphore, #tpu.memory_space<semaphore_mem>>
      tpu.enqueue_indirect_dma source(%arg13 : memref<128x16xf32, #tpu.memory_space<vmem>>) target(%dma_start3A_162 : memref<10240x16xf32, #tpu.memory_space<vmem_shared>>) offsets(%dma_start3A_159 : memref<128xi32, #tpu.memory_space<vmem>>) semaphore(%dma_start3A_164 : memref<!tpu.dma_semaphore, #tpu.memory_space<semaphore_mem>>) {add = true}
      %dma_wait3A_165 = arith.constant 0 : i32
      %dma_wait3A_166 = arith.constant 0 : i32
      %dma_wait3A_167 = arith.constant 0 : i32
      %dma_wait3A_168 = arith.constant 0 : i32
      %dma_wait3A_169 = arith.constant 0 : i32
      %dma_wait3A_170 = arith.constant 0 : i32
      %dma_wait3A_171 = tpu.memref_slice %arg12[%dma_wait3A_165, %dma_wait3A_169, %dma_wait3A_170] : memref<1x128x128xf32, #tpu.memory_space<vmem>> -> memref<1x128x128xf32, #tpu.memory_space<vmem>>
      %dma_wait3A_172 = tpu.memref_squeeze %dma_wait3A_171 : memref<1x128x128xf32, #tpu.memory_space<vmem>> -> memref<128x128xf32, #tpu.memory_space<vmem>>
      %dma_wait3A_173 = arith.constant 0 : i32
      %dma_wait3A_174 = tpu.memref_slice %arg10[%dma_wait3A_166, %dma_wait3A_167, %dma_wait3A_173] : memref<2x1x128xi32, #tpu.memory_space<vmem>> -> memref<1x1x128xi32, #tpu.memory_space<vmem>>
      %dma_wait3A_175 = tpu.memref_squeeze %dma_wait3A_174 : memref<1x1x128xi32, #tpu.memory_space<vmem>> -> memref<128xi32, #tpu.memory_space<vmem>>
      %dma_wait3A_176 = arith.constant 0 : i32
      %dma_wait3A_177 = arith.constant 0 : i32
      %dma_wait3A_178 = tpu.memref_slice %arg14[%dma_wait3A_176, %dma_wait3A_177] : memref<10240x128xf32, #tpu.memory_space<vmem_shared>> -> memref<10240x128xf32, #tpu.memory_space<vmem_shared>>
      %dma_wait3A_179 = tpu.memref_slice %arg17[%dma_wait3A_168] : memref<1x!tpu.dma_semaphore, #tpu.memory_space<semaphore_mem>> -> memref<1x!tpu.dma_semaphore, #tpu.memory_space<semaphore_mem>>
      %dma_wait3A_180 = tpu.memref_squeeze %dma_wait3A_179 : memref<1x!tpu.dma_semaphore, #tpu.memory_space<semaphore_mem>> -> memref<!tpu.dma_semaphore, #tpu.memory_space<semaphore_mem>>
      tpu.wait_indirect_dma semaphore(%dma_wait3A_180 : memref<!tpu.dma_semaphore, #tpu.memory_space<semaphore_mem>>) src(%dma_wait3A_172 : memref<128x128xf32, #tpu.memory_space<vmem>>) dst(%dma_wait3A_178 : memref<10240x128xf32, #tpu.memory_space<vmem_shared>>)
      %dma_wait3A_181 = arith.constant 0 : i32
      %dma_wait3A_182 = arith.constant 0 : i32
      %dma_wait3A_183 = arith.constant 0 : i32
      %dma_wait3A_184 = arith.constant 0 : i32
      %dma_wait3A_185 = tpu.memref_slice %arg10[%dma_wait3A_181, %dma_wait3A_182, %dma_wait3A_184] : memref<2x1x128xi32, #tpu.memory_space<vmem>> -> memref<1x1x128xi32, #tpu.memory_space<vmem>>
      %dma_wait3A_186 = tpu.memref_squeeze %dma_wait3A_185 : memref<1x1x128xi32, #tpu.memory_space<vmem>> -> memref<128xi32, #tpu.memory_space<vmem>>
      %dma_wait3A_187 = arith.constant 0 : i32
      %dma_wait3A_188 = arith.constant 0 : i32
      %dma_wait3A_189 = tpu.memref_slice %arg15[%dma_wait3A_187, %dma_wait3A_188] : memref<10240x16xf32, #tpu.memory_space<vmem_shared>> -> memref<10240x16xf32, #tpu.memory_space<vmem_shared>>
      %dma_wait3A_190 = tpu.memref_slice %arg18[%dma_wait3A_183] : memref<1x!tpu.dma_semaphore, #tpu.memory_space<semaphore_mem>> -> memref<1x!tpu.dma_semaphore, #tpu.memory_space<semaphore_mem>>
      %dma_wait3A_191 = tpu.memref_squeeze %dma_wait3A_190 : memref<1x!tpu.dma_semaphore, #tpu.memory_space<semaphore_mem>> -> memref<!tpu.dma_semaphore, #tpu.memory_space<semaphore_mem>>
      tpu.wait_indirect_dma semaphore(%dma_wait3A_191 : memref<!tpu.dma_semaphore, #tpu.memory_space<semaphore_mem>>) src(%arg13 : memref<128x16xf32, #tpu.memory_space<vmem>>) dst(%dma_wait3A_189 : memref<10240x16xf32, #tpu.memory_space<vmem_shared>>)
    }
    %scan3A_52 = arith.constant 79 : i32
    %barrier3A_53 = arith.constant 0 : index
    tpu.barrier barrier_id(%barrier3A_53)
    %mul3A_54 = arith.constant 640 : i32
    %mul3A_55 = arith.muli %arg1, %mul3A_54 : i32
    %mul3A_56 = arith.constant 640 : i32
    %mul3A_57 = arith.muli %arg1, %mul3A_56 : i32
    "tpu.region"() ({
      %run_scoped3A = tpu.sem_alloc : memref<!tpu.dma_semaphore, #tpu.memory_space<semaphore_mem>>
      %dma_start3A_62 = arith.constant 0 : i32
      %dma_start3A_63 = tpu.memref_slice %arg8[%arg0, %mul3A_57, %dma_start3A_62] : memref<2x10240x128xf32, #tpu.memory_space<hbm>> -> memref<1x640x128xf32, #tpu.memory_space<hbm>>
      %dma_start3A_64 = tpu.memref_squeeze %dma_start3A_63 : memref<1x640x128xf32, #tpu.memory_space<hbm>> -> memref<640x128xf32, #tpu.memory_space<hbm>>
      %dma_start3A_65 = arith.constant 0 : i32
      %dma_start3A_66 = tpu.memref_slice %arg14[%mul3A_55, %dma_start3A_65] : memref<10240x128xf32, #tpu.memory_space<vmem_shared>> -> memref<640x128xf32, #tpu.memory_space<vmem_shared>>
      tpu.enqueue_dma source(%dma_start3A_66 : memref<640x128xf32, #tpu.memory_space<vmem_shared>>) target(%dma_start3A_64 : memref<640x128xf32, #tpu.memory_space<hbm>>) target_semaphore(%run_scoped3A : memref<!tpu.dma_semaphore, #tpu.memory_space<semaphore_mem>>)
      %dma_wait3A = arith.constant 0 : i32
      %dma_wait3A_67 = tpu.memref_slice %arg8[%arg0, %mul3A_57, %dma_wait3A] : memref<2x10240x128xf32, #tpu.memory_space<hbm>> -> memref<1x640x128xf32, #tpu.memory_space<hbm>>
      %dma_wait3A_68 = tpu.memref_squeeze %dma_wait3A_67 : memref<1x640x128xf32, #tpu.memory_space<hbm>> -> memref<640x128xf32, #tpu.memory_space<hbm>>
      %dma_wait3A_69 = arith.constant 0 : i32
      %dma_wait3A_70 = tpu.memref_slice %arg14[%mul3A_55, %dma_wait3A_69] : memref<10240x128xf32, #tpu.memory_space<vmem_shared>> -> memref<640x128xf32, #tpu.memory_space<vmem_shared>>
      tpu.wait_dma2 semaphore(%run_scoped3A : memref<!tpu.dma_semaphore, #tpu.memory_space<semaphore_mem>>) src(%dma_wait3A_70 : memref<640x128xf32, #tpu.memory_space<vmem_shared>>) dst(%dma_wait3A_68 : memref<640x128xf32, #tpu.memory_space<hbm>>)
      tpu.yield
    }) : () -> ()
    %mul3A_58 = arith.constant 640 : i32
    %mul3A_59 = arith.muli %arg1, %mul3A_58 : i32
    %mul3A_60 = arith.constant 640 : i32
    %mul3A_61 = arith.muli %arg1, %mul3A_60 : i32
    "tpu.region"() ({
      %run_scoped3A = tpu.sem_alloc : memref<!tpu.dma_semaphore, #tpu.memory_space<semaphore_mem>>
      %dma_start3A_62 = arith.constant 0 : i32
      %dma_start3A_63 = tpu.memref_slice %arg9[%arg0, %mul3A_61, %dma_start3A_62] : memref<2x10240x16xf32, #tpu.memory_space<hbm>> -> memref<1x640x16xf32, #tpu.memory_space<hbm>>
      %dma_start3A_64 = tpu.memref_squeeze %dma_start3A_63 : memref<1x640x16xf32, #tpu.memory_space<hbm>> -> memref<640x16xf32, #tpu.memory_space<hbm>>
      %dma_start3A_65 = arith.constant 0 : i32
      %dma_start3A_66 = tpu.memref_slice %arg15[%mul3A_59, %dma_start3A_65] : memref<10240x16xf32, #tpu.memory_space<vmem_shared>> -> memref<640x16xf32, #tpu.memory_space<vmem_shared>>
      tpu.enqueue_dma source(%dma_start3A_66 : memref<640x16xf32, #tpu.memory_space<vmem_shared>>) target(%dma_start3A_64 : memref<640x16xf32, #tpu.memory_space<hbm>>) target_semaphore(%run_scoped3A : memref<!tpu.dma_semaphore, #tpu.memory_space<semaphore_mem>>)
      %dma_wait3A = arith.constant 0 : i32
      %dma_wait3A_67 = tpu.memref_slice %arg9[%arg0, %mul3A_61, %dma_wait3A] : memref<2x10240x16xf32, #tpu.memory_space<hbm>> -> memref<1x640x16xf32, #tpu.memory_space<hbm>>
      %dma_wait3A_68 = tpu.memref_squeeze %dma_wait3A_67 : memref<1x640x16xf32, #tpu.memory_space<hbm>> -> memref<640x16xf32, #tpu.memory_space<hbm>>
      %dma_wait3A_69 = arith.constant 0 : i32
      %dma_wait3A_70 = tpu.memref_slice %arg15[%mul3A_59, %dma_wait3A_69] : memref<10240x16xf32, #tpu.memory_space<vmem_shared>> -> memref<640x16xf32, #tpu.memory_space<vmem_shared>>
      tpu.wait_dma2 semaphore(%run_scoped3A : memref<!tpu.dma_semaphore, #tpu.memory_space<semaphore_mem>>) src(%dma_wait3A_70 : memref<640x16xf32, #tpu.memory_space<vmem_shared>>) dst(%dma_wait3A_68 : memref<640x16xf32, #tpu.memory_space<hbm>>)
      tpu.yield
    }) : () -> ()
    return
  }
}

#map = affine_map<(d0, d1) -> (0, 0, 0)>
#map1 = affine_map<(d0, d1) -> (0, 0)>
module attributes {stable_mosaic.version = 14 : i64} {
  func.func @_sc_pass_body(%arg0: i32, %arg1: i32, %arg2: memref<32x79x128xi32, #tpu.memory_space<hbm>>, %arg3: memref<32x79x128xi32, #tpu.memory_space<hbm>>, %arg4: memref<10240x128xf32, #tpu.memory_space<hbm>>, %arg5: memref<128x16xf32, #tpu.memory_space<hbm>>, %arg6: memref<10240x128xf32, #tpu.memory_space<hbm>>, %arg7: memref<10240x16xf32, #tpu.memory_space<hbm>>, %arg8: memref<2x10240x128xf32, #tpu.memory_space<hbm>>, %arg9: memref<2x10240x16xf32, #tpu.memory_space<hbm>>, %arg10: memref<2x1x128xi32, #tpu.memory_space<vmem>>, %arg11: memref<2x1x128xi32, #tpu.memory_space<vmem>>, %arg12: memref<1x128x128xf32, #tpu.memory_space<vmem>>, %arg13: memref<128x16xf32, #tpu.memory_space<vmem>>, %arg14: memref<10240x128xf32, #tpu.memory_space<vmem_shared>>, %arg15: memref<10240x16xf32, #tpu.memory_space<vmem_shared>>, %arg16: memref<1x!tpu.dma_semaphore, #tpu.memory_space<semaphore_mem>>, %arg17: memref<1x!tpu.dma_semaphore, #tpu.memory_space<semaphore_mem>>, %arg18: memref<1x!tpu.dma_semaphore, #tpu.memory_space<semaphore_mem>>, %arg19: memref<2x!tpu.dma_semaphore, #tpu.memory_space<semaphore_mem>>) attributes {dimension_semantics = [#tpu.dimension_semantics<core_parallel>, #tpu.dimension_semantics<subcore_parallel>], iteration_bounds = array<i64: 2, 16>, scalar_prefetch = 0 : i64, scratch_operands = 10 : i64, tpu.core_type = #tpu.core_type<sc_vector_subcore>, window_params = [{transform_indices = #map}, {transform_indices = #map}, {transform_indices = #map1}, {transform_indices = #map1}, {transform_indices = #map1}, {transform_indices = #map1}, {transform_indices = #map}, {transform_indices = #map}]} {
    %mul3A = arith.constant 2 : i32
    %mul3A_0 = arith.muli %arg1, %mul3A : i32
    %add3A = arith.addi %mul3A_0, %arg0 : i32
    "tpu.region"() ({
      %run_scoped3A = tpu.sem_alloc : memref<!tpu.dma_semaphore, #tpu.memory_space<semaphore_mem>>
      tpu.enqueue_dma source(%arg5 : memref<128x16xf32, #tpu.memory_space<hbm>>) target(%arg13 : memref<128x16xf32, #tpu.memory_space<vmem>>) target_semaphore(%run_scoped3A : memref<!tpu.dma_semaphore, #tpu.memory_space<semaphore_mem>>)
      tpu.wait_dma2 semaphore(%run_scoped3A : memref<!tpu.dma_semaphore, #tpu.memory_space<semaphore_mem>>) src(%arg5 : memref<128x16xf32, #tpu.memory_space<hbm>>) dst(%arg13 : memref<128x16xf32, #tpu.memory_space<vmem>>)
      tpu.yield
    }) : () -> ()
    %dma_start3A = arith.constant 0 : i32
    %dma_start3A_1 = arith.constant 0 : i32
    %dma_start3A_2 = arith.constant 0 : i32
    %dma_start3A_3 = arith.constant 0 : i32
    %dma_start3A_4 = tpu.memref_slice %arg10[%dma_start3A, %dma_start3A_2, %dma_start3A_3] : memref<2x1x128xi32, #tpu.memory_space<vmem>> -> memref<1x1x128xi32, #tpu.memory_space<vmem>>
    %dma_start3A_5 = tpu.memref_squeeze %dma_start3A_4 : memref<1x1x128xi32, #tpu.memory_space<vmem>> -> memref<1x128xi32, #tpu.memory_space<vmem>>
    %dma_start3A_6 = arith.constant 0 : i32
    %dma_start3A_7 = arith.constant 0 : i32
    %dma_start3A_8 = tpu.memref_slice %arg2[%add3A, %dma_start3A_6, %dma_start3A_7] : memref<32x79x128xi32, #tpu.memory_space<hbm>> -> memref<1x1x128xi32, #tpu.memory_space<hbm>>
    %dma_start3A_9 = tpu.memref_squeeze %dma_start3A_8 : memref<1x1x128xi32, #tpu.memory_space<hbm>> -> memref<1x128xi32, #tpu.memory_space<hbm>>
    %dma_start3A_10 = tpu.memref_slice %arg19[%dma_start3A_1] : memref<2x!tpu.dma_semaphore, #tpu.memory_space<semaphore_mem>> -> memref<1x!tpu.dma_semaphore, #tpu.memory_space<semaphore_mem>>
    %dma_start3A_11 = tpu.memref_squeeze %dma_start3A_10 : memref<1x!tpu.dma_semaphore, #tpu.memory_space<semaphore_mem>> -> memref<!tpu.dma_semaphore, #tpu.memory_space<semaphore_mem>>
    %dma_start3A_12 = arith.constant 0 : i32
    %dma_start3A_13 = arith.constant 0 : i32
    %dma_start3A_14 = tpu.memref_slice %arg10[%dma_start3A, %dma_start3A_12, %dma_start3A_13] : memref<2x1x128xi32, #tpu.memory_space<vmem>> -> memref<1x1x128xi32, #tpu.memory_space<vmem>>
    %dma_start3A_15 = tpu.memref_squeeze %dma_start3A_14 : memref<1x1x128xi32, #tpu.memory_space<vmem>> -> memref<1x128xi32, #tpu.memory_space<vmem>>
    %dma_start3A_16 = arith.constant 0 : i32
    %dma_start3A_17 = arith.constant 0 : i32
    %dma_start3A_18 = tpu.memref_slice %arg2[%add3A, %dma_start3A_16, %dma_start3A_17] : memref<32x79x128xi32, #tpu.memory_space<hbm>> -> memref<1x1x128xi32, #tpu.memory_space<hbm>>
    %dma_start3A_19 = tpu.memref_squeeze %dma_start3A_18 : memref<1x1x128xi32, #tpu.memory_space<hbm>> -> memref<1x128xi32, #tpu.memory_space<hbm>>
    tpu.enqueue_dma source(%dma_start3A_19 : memref<1x128xi32, #tpu.memory_space<hbm>>) target(%dma_start3A_15 : memref<1x128xi32, #tpu.memory_space<vmem>>) target_semaphore(%dma_start3A_11 : memref<!tpu.dma_semaphore, #tpu.memory_space<semaphore_mem>>)
    %dma_start3A_20 = arith.constant 0 : i32
    %dma_start3A_21 = arith.constant 0 : i32
    %dma_start3A_22 = arith.constant 0 : i32
    %dma_start3A_23 = arith.constant 0 : i32
    %dma_start3A_24 = tpu.memref_slice %arg11[%dma_start3A_20, %dma_start3A_22, %dma_start3A_23] : memref<2x1x128xi32, #tpu.memory_space<vmem>> -> memref<1x1x128xi32, #tpu.memory_space<vmem>>
    %dma_start3A_25 = tpu.memref_squeeze %dma_start3A_24 : memref<1x1x128xi32, #tpu.memory_space<vmem>> -> memref<1x128xi32, #tpu.memory_space<vmem>>
    %dma_start3A_26 = arith.constant 0 : i32
    %dma_start3A_27 = arith.constant 0 : i32
    %dma_start3A_28 = tpu.memref_slice %arg3[%add3A, %dma_start3A_26, %dma_start3A_27] : memref<32x79x128xi32, #tpu.memory_space<hbm>> -> memref<1x1x128xi32, #tpu.memory_space<hbm>>
    %dma_start3A_29 = tpu.memref_squeeze %dma_start3A_28 : memref<1x1x128xi32, #tpu.memory_space<hbm>> -> memref<1x128xi32, #tpu.memory_space<hbm>>
    %dma_start3A_30 = tpu.memref_slice %arg19[%dma_start3A_21] : memref<2x!tpu.dma_semaphore, #tpu.memory_space<semaphore_mem>> -> memref<1x!tpu.dma_semaphore, #tpu.memory_space<semaphore_mem>>
    %dma_start3A_31 = tpu.memref_squeeze %dma_start3A_30 : memref<1x!tpu.dma_semaphore, #tpu.memory_space<semaphore_mem>> -> memref<!tpu.dma_semaphore, #tpu.memory_space<semaphore_mem>>
    %dma_start3A_32 = arith.constant 0 : i32
    %dma_start3A_33 = arith.constant 0 : i32
    %dma_start3A_34 = tpu.memref_slice %arg11[%dma_start3A_20, %dma_start3A_32, %dma_start3A_33] : memref<2x1x128xi32, #tpu.memory_space<vmem>> -> memref<1x1x128xi32, #tpu.memory_space<vmem>>
    %dma_start3A_35 = tpu.memref_squeeze %dma_start3A_34 : memref<1x1x128xi32, #tpu.memory_space<vmem>> -> memref<1x128xi32, #tpu.memory_space<vmem>>
    %dma_start3A_36 = arith.constant 0 : i32
    %dma_start3A_37 = arith.constant 0 : i32
    %dma_start3A_38 = tpu.memref_slice %arg3[%add3A, %dma_start3A_36, %dma_start3A_37] : memref<32x79x128xi32, #tpu.memory_space<hbm>> -> memref<1x1x128xi32, #tpu.memory_space<hbm>>
    %dma_start3A_39 = tpu.memref_squeeze %dma_start3A_38 : memref<1x1x128xi32, #tpu.memory_space<hbm>> -> memref<1x128xi32, #tpu.memory_space<hbm>>
    tpu.enqueue_dma source(%dma_start3A_39 : memref<1x128xi32, #tpu.memory_space<hbm>>) target(%dma_start3A_35 : memref<1x128xi32, #tpu.memory_space<vmem>>) target_semaphore(%dma_start3A_31 : memref<!tpu.dma_semaphore, #tpu.memory_space<semaphore_mem>>)
    %mul3A_40 = arith.constant 640 : i32
    %mul3A_41 = arith.muli %arg1, %mul3A_40 : i32
    %mul3A_42 = arith.constant 640 : i32
    %mul3A_43 = arith.muli %arg1, %mul3A_42 : i32
    "tpu.region"() ({
      %run_scoped3A = tpu.sem_alloc : memref<!tpu.dma_semaphore, #tpu.memory_space<semaphore_mem>>
      %dma_start3A_62 = arith.constant 0 : i32
      %dma_start3A_63 = tpu.memref_slice %arg14[%mul3A_43, %dma_start3A_62] : memref<10240x128xf32, #tpu.memory_space<vmem_shared>> -> memref<640x128xf32, #tpu.memory_space<vmem_shared>>
      %dma_start3A_64 = arith.constant 0 : i32
      %dma_start3A_65 = tpu.memref_slice %arg6[%mul3A_41, %dma_start3A_64] : memref<10240x128xf32, #tpu.memory_space<hbm>> -> memref<640x128xf32, #tpu.memory_space<hbm>>
      tpu.enqueue_dma source(%dma_start3A_65 : memref<640x128xf32, #tpu.memory_space<hbm>>) target(%dma_start3A_63 : memref<640x128xf32, #tpu.memory_space<vmem_shared>>) target_semaphore(%run_scoped3A : memref<!tpu.dma_semaphore, #tpu.memory_space<semaphore_mem>>)
      %dma_wait3A = arith.constant 0 : i32
      %dma_wait3A_66 = tpu.memref_slice %arg14[%mul3A_43, %dma_wait3A] : memref<10240x128xf32, #tpu.memory_space<vmem_shared>> -> memref<640x128xf32, #tpu.memory_space<vmem_shared>>
      %dma_wait3A_67 = arith.constant 0 : i32
      %dma_wait3A_68 = tpu.memref_slice %arg6[%mul3A_41, %dma_wait3A_67] : memref<10240x128xf32, #tpu.memory_space<hbm>> -> memref<640x128xf32, #tpu.memory_space<hbm>>
      tpu.wait_dma2 semaphore(%run_scoped3A : memref<!tpu.dma_semaphore, #tpu.memory_space<semaphore_mem>>) src(%dma_wait3A_68 : memref<640x128xf32, #tpu.memory_space<hbm>>) dst(%dma_wait3A_66 : memref<640x128xf32, #tpu.memory_space<vmem_shared>>)
      tpu.yield
    }) : () -> ()
    %mul3A_44 = arith.constant 640 : i32
    %mul3A_45 = arith.muli %arg1, %mul3A_44 : i32
    %mul3A_46 = arith.constant 640 : i32
    %mul3A_47 = arith.muli %arg1, %mul3A_46 : i32
    "tpu.region"() ({
      %run_scoped3A = tpu.sem_alloc : memref<!tpu.dma_semaphore, #tpu.memory_space<semaphore_mem>>
      %dma_start3A_62 = arith.constant 0 : i32
      %dma_start3A_63 = tpu.memref_slice %arg15[%mul3A_47, %dma_start3A_62] : memref<10240x16xf32, #tpu.memory_space<vmem_shared>> -> memref<640x16xf32, #tpu.memory_space<vmem_shared>>
      %dma_start3A_64 = arith.constant 0 : i32
      %dma_start3A_65 = tpu.memref_slice %arg7[%mul3A_45, %dma_start3A_64] : memref<10240x16xf32, #tpu.memory_space<hbm>> -> memref<640x16xf32, #tpu.memory_space<hbm>>
      tpu.enqueue_dma source(%dma_start3A_65 : memref<640x16xf32, #tpu.memory_space<hbm>>) target(%dma_start3A_63 : memref<640x16xf32, #tpu.memory_space<vmem_shared>>) target_semaphore(%run_scoped3A : memref<!tpu.dma_semaphore, #tpu.memory_space<semaphore_mem>>)
      %dma_wait3A = arith.constant 0 : i32
      %dma_wait3A_66 = tpu.memref_slice %arg15[%mul3A_47, %dma_wait3A] : memref<10240x16xf32, #tpu.memory_space<vmem_shared>> -> memref<640x16xf32, #tpu.memory_space<vmem_shared>>
      %dma_wait3A_67 = arith.constant 0 : i32
      %dma_wait3A_68 = tpu.memref_slice %arg7[%mul3A_45, %dma_wait3A_67] : memref<10240x16xf32, #tpu.memory_space<hbm>> -> memref<640x16xf32, #tpu.memory_space<hbm>>
      tpu.wait_dma2 semaphore(%run_scoped3A : memref<!tpu.dma_semaphore, #tpu.memory_space<semaphore_mem>>) src(%dma_wait3A_68 : memref<640x16xf32, #tpu.memory_space<hbm>>) dst(%dma_wait3A_66 : memref<640x16xf32, #tpu.memory_space<vmem_shared>>)
      tpu.yield
    }) : () -> ()
    %barrier3A = arith.constant 0 : index
    tpu.barrier barrier_id(%barrier3A)
    %scan3A = arith.constant 0 : i32
    %scan3A_48 = arith.constant 0 : i32
    %scan3A_49 = arith.constant 79 : i32
    %scan3A_50 = arith.addi %scan3A_48, %scan3A_49 : i32
    %scan3A_51 = arith.constant 1 : i32
    scf.for %scan3A_62 = %scan3A_48 to %scan3A_50 step %scan3A_51  : i32 {
      %rem3A = arith.constant 2 : i32
      %rem3A_63 = arith.remsi %scan3A_62, %rem3A : i32
      %add3A_64 = arith.constant 1 : i32
      %add3A_65 = arith.addi %scan3A_62, %add3A_64 : i32
      %rem3A_66 = arith.constant 2 : i32
      %rem3A_67 = arith.remsi %add3A_65, %rem3A_66 : i32
      %dma_wait3A = arith.constant 0 : i32
      %dma_wait3A_68 = arith.constant 0 : i32
      %dma_wait3A_69 = arith.constant 0 : i32
      %dma_wait3A_70 = tpu.memref_slice %arg10[%rem3A_63, %dma_wait3A_68, %dma_wait3A_69] : memref<2x1x128xi32, #tpu.memory_space<vmem>> -> memref<1x1x128xi32, #tpu.memory_space<vmem>>
      %dma_wait3A_71 = tpu.memref_squeeze %dma_wait3A_70 : memref<1x1x128xi32, #tpu.memory_space<vmem>> -> memref<1x128xi32, #tpu.memory_space<vmem>>
      %dma_wait3A_72 = arith.constant 0 : i32
      %dma_wait3A_73 = arith.constant 0 : i32
      %dma_wait3A_74 = tpu.memref_slice %arg2[%dma_wait3A, %dma_wait3A_72, %dma_wait3A_73] : memref<32x79x128xi32, #tpu.memory_space<hbm>> -> memref<1x1x128xi32, #tpu.memory_space<hbm>>
      %dma_wait3A_75 = tpu.memref_squeeze %dma_wait3A_74 : memref<1x1x128xi32, #tpu.memory_space<hbm>> -> memref<1x128xi32, #tpu.memory_space<hbm>>
      %dma_wait3A_76 = tpu.memref_slice %arg19[%rem3A_63] : memref<2x!tpu.dma_semaphore, #tpu.memory_space<semaphore_mem>> -> memref<1x!tpu.dma_semaphore, #tpu.memory_space<semaphore_mem>>
      %dma_wait3A_77 = tpu.memref_squeeze %dma_wait3A_76 : memref<1x!tpu.dma_semaphore, #tpu.memory_space<semaphore_mem>> -> memref<!tpu.dma_semaphore, #tpu.memory_space<semaphore_mem>>
      %dma_wait3A_78 = arith.constant 0 : i32
      %dma_wait3A_79 = arith.constant 0 : i32
      %dma_wait3A_80 = tpu.memref_slice %arg10[%rem3A_63, %dma_wait3A_78, %dma_wait3A_79] : memref<2x1x128xi32, #tpu.memory_space<vmem>> -> memref<1x1x128xi32, #tpu.memory_space<vmem>>
      %dma_wait3A_81 = tpu.memref_squeeze %dma_wait3A_80 : memref<1x1x128xi32, #tpu.memory_space<vmem>> -> memref<1x128xi32, #tpu.memory_space<vmem>>
      %dma_wait3A_82 = arith.constant 0 : i32
      %dma_wait3A_83 = arith.constant 0 : i32
      %dma_wait3A_84 = tpu.memref_slice %arg2[%dma_wait3A, %dma_wait3A_82, %dma_wait3A_83] : memref<32x79x128xi32, #tpu.memory_space<hbm>> -> memref<1x1x128xi32, #tpu.memory_space<hbm>>
      %dma_wait3A_85 = tpu.memref_squeeze %dma_wait3A_84 : memref<1x1x128xi32, #tpu.memory_space<hbm>> -> memref<1x128xi32, #tpu.memory_space<hbm>>
      tpu.wait_dma2 semaphore(%dma_wait3A_77 : memref<!tpu.dma_semaphore, #tpu.memory_space<semaphore_mem>>) src(%dma_wait3A_85 : memref<1x128xi32, #tpu.memory_space<hbm>>) dst(%dma_wait3A_81 : memref<1x128xi32, #tpu.memory_space<vmem>>)
      %dma_wait3A_86 = arith.constant 0 : i32
      %dma_wait3A_87 = arith.constant 0 : i32
      %dma_wait3A_88 = arith.constant 0 : i32
      %dma_wait3A_89 = tpu.memref_slice %arg11[%rem3A_63, %dma_wait3A_87, %dma_wait3A_88] : memref<2x1x128xi32, #tpu.memory_space<vmem>> -> memref<1x1x128xi32, #tpu.memory_space<vmem>>
      %dma_wait3A_90 = tpu.memref_squeeze %dma_wait3A_89 : memref<1x1x128xi32, #tpu.memory_space<vmem>> -> memref<1x128xi32, #tpu.memory_space<vmem>>
      %dma_wait3A_91 = arith.constant 0 : i32
      %dma_wait3A_92 = arith.constant 0 : i32
      %dma_wait3A_93 = tpu.memref_slice %arg3[%dma_wait3A_86, %dma_wait3A_91, %dma_wait3A_92] : memref<32x79x128xi32, #tpu.memory_space<hbm>> -> memref<1x1x128xi32, #tpu.memory_space<hbm>>
      %dma_wait3A_94 = tpu.memref_squeeze %dma_wait3A_93 : memref<1x1x128xi32, #tpu.memory_space<hbm>> -> memref<1x128xi32, #tpu.memory_space<hbm>>
      %dma_wait3A_95 = tpu.memref_slice %arg19[%rem3A_63] : memref<2x!tpu.dma_semaphore, #tpu.memory_space<semaphore_mem>> -> memref<1x!tpu.dma_semaphore, #tpu.memory_space<semaphore_mem>>
      %dma_wait3A_96 = tpu.memref_squeeze %dma_wait3A_95 : memref<1x!tpu.dma_semaphore, #tpu.memory_space<semaphore_mem>> -> memref<!tpu.dma_semaphore, #tpu.memory_space<semaphore_mem>>
      %dma_wait3A_97 = arith.constant 0 : i32
      %dma_wait3A_98 = arith.constant 0 : i32
      %dma_wait3A_99 = tpu.memref_slice %arg11[%rem3A_63, %dma_wait3A_97, %dma_wait3A_98] : memref<2x1x128xi32, #tpu.memory_space<vmem>> -> memref<1x1x128xi32, #tpu.memory_space<vmem>>
      %dma_wait3A_100 = tpu.memref_squeeze %dma_wait3A_99 : memref<1x1x128xi32, #tpu.memory_space<vmem>> -> memref<1x128xi32, #tpu.memory_space<vmem>>
      %dma_wait3A_101 = arith.constant 0 : i32
      %dma_wait3A_102 = arith.constant 0 : i32
      %dma_wait3A_103 = tpu.memref_slice %arg3[%dma_wait3A_86, %dma_wait3A_101, %dma_wait3A_102] : memref<32x79x128xi32, #tpu.memory_space<hbm>> -> memref<1x1x128xi32, #tpu.memory_space<hbm>>
      %dma_wait3A_104 = tpu.memref_squeeze %dma_wait3A_103 : memref<1x1x128xi32, #tpu.memory_space<hbm>> -> memref<1x128xi32, #tpu.memory_space<hbm>>
      tpu.wait_dma2 semaphore(%dma_wait3A_96 : memref<!tpu.dma_semaphore, #tpu.memory_space<semaphore_mem>>) src(%dma_wait3A_104 : memref<1x128xi32, #tpu.memory_space<hbm>>) dst(%dma_wait3A_100 : memref<1x128xi32, #tpu.memory_space<vmem>>)
      %add3A_105 = arith.constant 1 : i32
      %add3A_106 = arith.addi %scan3A_62, %add3A_105 : i32
      %lt3A = arith.constant 79 : i32
      %lt3A_107 = arith.cmpi slt, %add3A_106, %lt3A : i32
      %convert_element_type3A = arith.extui %lt3A_107 : i1 to i32
      %cond3A = arith.constant 0 : i32
      %cond3A_108 = arith.cmpi ne, %convert_element_type3A, %cond3A : i32
      scf.if %cond3A_108 {
        %add3A_192 = arith.constant 1 : i32
        %add3A_193 = arith.addi %scan3A_62, %add3A_192 : i32
        %mul3A_194 = arith.constant 1 : i32
        %mul3A_195 = arith.muli %add3A_193, %mul3A_194 : i32
        %dma_start3A_196 = arith.constant 0 : i32
        %dma_start3A_197 = arith.constant 0 : i32
        %dma_start3A_198 = tpu.memref_slice %arg10[%rem3A_67, %dma_start3A_196, %dma_start3A_197] : memref<2x1x128xi32, #tpu.memory_space<vmem>> -> memref<1x1x128xi32, #tpu.memory_space<vmem>>
        %dma_start3A_199 = tpu.memref_squeeze %dma_start3A_198 : memref<1x1x128xi32, #tpu.memory_space<vmem>> -> memref<1x128xi32, #tpu.memory_space<vmem>>
        %dma_start3A_200 = arith.constant 0 : i32
        %dma_start3A_201 = tpu.memref_slice %arg2[%add3A, %mul3A_195, %dma_start3A_200] : memref<32x79x128xi32, #tpu.memory_space<hbm>> -> memref<1x1x128xi32, #tpu.memory_space<hbm>>
        %dma_start3A_202 = tpu.memref_squeeze %dma_start3A_201 : memref<1x1x128xi32, #tpu.memory_space<hbm>> -> memref<1x128xi32, #tpu.memory_space<hbm>>
        %dma_start3A_203 = tpu.memref_slice %arg19[%rem3A_67] : memref<2x!tpu.dma_semaphore, #tpu.memory_space<semaphore_mem>> -> memref<1x!tpu.dma_semaphore, #tpu.memory_space<semaphore_mem>>
        %dma_start3A_204 = tpu.memref_squeeze %dma_start3A_203 : memref<1x!tpu.dma_semaphore, #tpu.memory_space<semaphore_mem>> -> memref<!tpu.dma_semaphore, #tpu.memory_space<semaphore_mem>>
        %dma_start3A_205 = arith.constant 0 : i32
        %dma_start3A_206 = arith.constant 0 : i32
        %dma_start3A_207 = tpu.memref_slice %arg10[%rem3A_67, %dma_start3A_205, %dma_start3A_206] : memref<2x1x128xi32, #tpu.memory_space<vmem>> -> memref<1x1x128xi32, #tpu.memory_space<vmem>>
        %dma_start3A_208 = tpu.memref_squeeze %dma_start3A_207 : memref<1x1x128xi32, #tpu.memory_space<vmem>> -> memref<1x128xi32, #tpu.memory_space<vmem>>
        %dma_start3A_209 = arith.constant 0 : i32
        %dma_start3A_210 = tpu.memref_slice %arg2[%add3A, %mul3A_195, %dma_start3A_209] : memref<32x79x128xi32, #tpu.memory_space<hbm>> -> memref<1x1x128xi32, #tpu.memory_space<hbm>>
        %dma_start3A_211 = tpu.memref_squeeze %dma_start3A_210 : memref<1x1x128xi32, #tpu.memory_space<hbm>> -> memref<1x128xi32, #tpu.memory_space<hbm>>
        tpu.enqueue_dma source(%dma_start3A_211 : memref<1x128xi32, #tpu.memory_space<hbm>>) target(%dma_start3A_208 : memref<1x128xi32, #tpu.memory_space<vmem>>) target_semaphore(%dma_start3A_204 : memref<!tpu.dma_semaphore, #tpu.memory_space<semaphore_mem>>)
        %add3A_212 = arith.constant 1 : i32
        %add3A_213 = arith.addi %scan3A_62, %add3A_212 : i32
        %mul3A_214 = arith.constant 1 : i32
        %mul3A_215 = arith.muli %add3A_213, %mul3A_214 : i32
        %dma_start3A_216 = arith.constant 0 : i32
        %dma_start3A_217 = arith.constant 0 : i32
        %dma_start3A_218 = tpu.memref_slice %arg11[%rem3A_67, %dma_start3A_216, %dma_start3A_217] : memref<2x1x128xi32, #tpu.memory_space<vmem>> -> memref<1x1x128xi32, #tpu.memory_space<vmem>>
        %dma_start3A_219 = tpu.memref_squeeze %dma_start3A_218 : memref<1x1x128xi32, #tpu.memory_space<vmem>> -> memref<1x128xi32, #tpu.memory_space<vmem>>
        %dma_start3A_220 = arith.constant 0 : i32
        %dma_start3A_221 = tpu.memref_slice %arg3[%add3A, %mul3A_215, %dma_start3A_220] : memref<32x79x128xi32, #tpu.memory_space<hbm>> -> memref<1x1x128xi32, #tpu.memory_space<hbm>>
        %dma_start3A_222 = tpu.memref_squeeze %dma_start3A_221 : memref<1x1x128xi32, #tpu.memory_space<hbm>> -> memref<1x128xi32, #tpu.memory_space<hbm>>
        %dma_start3A_223 = tpu.memref_slice %arg19[%rem3A_67] : memref<2x!tpu.dma_semaphore, #tpu.memory_space<semaphore_mem>> -> memref<1x!tpu.dma_semaphore, #tpu.memory_space<semaphore_mem>>
        %dma_start3A_224 = tpu.memref_squeeze %dma_start3A_223 : memref<1x!tpu.dma_semaphore, #tpu.memory_space<semaphore_mem>> -> memref<!tpu.dma_semaphore, #tpu.memory_space<semaphore_mem>>
        %dma_start3A_225 = arith.constant 0 : i32
        %dma_start3A_226 = arith.constant 0 : i32
        %dma_start3A_227 = tpu.memref_slice %arg11[%rem3A_67, %dma_start3A_225, %dma_start3A_226] : memref<2x1x128xi32, #tpu.memory_space<vmem>> -> memref<1x1x128xi32, #tpu.memory_space<vmem>>
        %dma_start3A_228 = tpu.memref_squeeze %dma_start3A_227 : memref<1x1x128xi32, #tpu.memory_space<vmem>> -> memref<1x128xi32, #tpu.memory_space<vmem>>
        %dma_start3A_229 = arith.constant 0 : i32
        %dma_start3A_230 = tpu.memref_slice %arg3[%add3A, %mul3A_215, %dma_start3A_229] : memref<32x79x128xi32, #tpu.memory_space<hbm>> -> memref<1x1x128xi32, #tpu.memory_space<hbm>>
        %dma_start3A_231 = tpu.memref_squeeze %dma_start3A_230 : memref<1x1x128xi32, #tpu.memory_space<hbm>> -> memref<1x128xi32, #tpu.memory_space<hbm>>
        tpu.enqueue_dma source(%dma_start3A_231 : memref<1x128xi32, #tpu.memory_space<hbm>>) target(%dma_start3A_228 : memref<1x128xi32, #tpu.memory_space<vmem>>) target_semaphore(%dma_start3A_224 : memref<!tpu.dma_semaphore, #tpu.memory_space<semaphore_mem>>)
      } else {
      }
      %dma_start3A_109 = arith.constant 0 : i32
      %dma_start3A_110 = arith.constant 0 : i32
      %dma_start3A_111 = arith.constant 0 : i32
      %dma_start3A_112 = arith.constant 0 : i32
      %dma_start3A_113 = arith.constant 0 : i32
      %dma_start3A_114 = tpu.memref_slice %arg12[%dma_start3A_110, %dma_start3A_112, %dma_start3A_113] : memref<1x128x128xf32, #tpu.memory_space<vmem>> -> memref<1x128x128xf32, #tpu.memory_space<vmem>>
      %dma_start3A_115 = tpu.memref_squeeze %dma_start3A_114 : memref<1x128x128xf32, #tpu.memory_space<vmem>> -> memref<128x128xf32, #tpu.memory_space<vmem>>
      %dma_start3A_116 = arith.constant 0 : i32
      %dma_start3A_117 = tpu.memref_slice %arg10[%rem3A_63, %dma_start3A_109, %dma_start3A_116] : memref<2x1x128xi32, #tpu.memory_space<vmem>> -> memref<1x1x128xi32, #tpu.memory_space<vmem>>
      %dma_start3A_118 = tpu.memref_squeeze %dma_start3A_117 : memref<1x1x128xi32, #tpu.memory_space<vmem>> -> memref<128xi32, #tpu.memory_space<vmem>>
      %dma_start3A_119 = arith.constant 0 : i32
      %dma_start3A_120 = arith.constant 0 : i32
      %dma_start3A_121 = tpu.memref_slice %arg4[%dma_start3A_119, %dma_start3A_120] : memref<10240x128xf32, #tpu.memory_space<hbm>> -> memref<10240x128xf32, #tpu.memory_space<hbm>>
      %dma_start3A_122 = tpu.memref_slice %arg16[%dma_start3A_111] : memref<1x!tpu.dma_semaphore, #tpu.memory_space<semaphore_mem>> -> memref<1x!tpu.dma_semaphore, #tpu.memory_space<semaphore_mem>>
      %dma_start3A_123 = tpu.memref_squeeze %dma_start3A_122 : memref<1x!tpu.dma_semaphore, #tpu.memory_space<semaphore_mem>> -> memref<!tpu.dma_semaphore, #tpu.memory_space<semaphore_mem>>
      tpu.enqueue_indirect_dma source(%dma_start3A_121 : memref<10240x128xf32, #tpu.memory_space<hbm>>) target(%dma_start3A_115 : memref<128x128xf32, #tpu.memory_space<vmem>>) offsets(%dma_start3A_118 : memref<128xi32, #tpu.memory_space<vmem>>) semaphore(%dma_start3A_123 : memref<!tpu.dma_semaphore, #tpu.memory_space<semaphore_mem>>)
      %dma_wait3A_124 = arith.constant 0 : i32
      %dma_wait3A_125 = arith.constant 0 : i32
      %dma_wait3A_126 = arith.constant 0 : i32
      %dma_wait3A_127 = arith.constant 0 : i32
      %dma_wait3A_128 = arith.constant 0 : i32
      %dma_wait3A_129 = arith.constant 0 : i32
      %dma_wait3A_130 = tpu.memref_slice %arg12[%dma_wait3A_126, %dma_wait3A_128, %dma_wait3A_129] : memref<1x128x128xf32, #tpu.memory_space<vmem>> -> memref<1x128x128xf32, #tpu.memory_space<vmem>>
      %dma_wait3A_131 = tpu.memref_squeeze %dma_wait3A_130 : memref<1x128x128xf32, #tpu.memory_space<vmem>> -> memref<128x128xf32, #tpu.memory_space<vmem>>
      %dma_wait3A_132 = arith.constant 0 : i32
      %dma_wait3A_133 = tpu.memref_slice %arg10[%dma_wait3A_124, %dma_wait3A_125, %dma_wait3A_132] : memref<2x1x128xi32, #tpu.memory_space<vmem>> -> memref<1x1x128xi32, #tpu.memory_space<vmem>>
      %dma_wait3A_134 = tpu.memref_squeeze %dma_wait3A_133 : memref<1x1x128xi32, #tpu.memory_space<vmem>> -> memref<128xi32, #tpu.memory_space<vmem>>
      %dma_wait3A_135 = arith.constant 0 : i32
      %dma_wait3A_136 = arith.constant 0 : i32
      %dma_wait3A_137 = tpu.memref_slice %arg4[%dma_wait3A_135, %dma_wait3A_136] : memref<10240x128xf32, #tpu.memory_space<hbm>> -> memref<10240x128xf32, #tpu.memory_space<hbm>>
      %dma_wait3A_138 = tpu.memref_slice %arg16[%dma_wait3A_127] : memref<1x!tpu.dma_semaphore, #tpu.memory_space<semaphore_mem>> -> memref<1x!tpu.dma_semaphore, #tpu.memory_space<semaphore_mem>>
      %dma_wait3A_139 = tpu.memref_squeeze %dma_wait3A_138 : memref<1x!tpu.dma_semaphore, #tpu.memory_space<semaphore_mem>> -> memref<!tpu.dma_semaphore, #tpu.memory_space<semaphore_mem>>
      tpu.wait_indirect_dma semaphore(%dma_wait3A_139 : memref<!tpu.dma_semaphore, #tpu.memory_space<semaphore_mem>>) src(%dma_wait3A_137 : memref<10240x128xf32, #tpu.memory_space<hbm>>) dst(%dma_wait3A_131 : memref<128x128xf32, #tpu.memory_space<vmem>>)
      %dma_start3A_140 = arith.constant 0 : i32
      %dma_start3A_141 = arith.constant 0 : i32
      %dma_start3A_142 = arith.constant 0 : i32
      %dma_start3A_143 = arith.constant 0 : i32
      %dma_start3A_144 = arith.constant 0 : i32
      %dma_start3A_145 = tpu.memref_slice %arg12[%dma_start3A_140, %dma_start3A_143, %dma_start3A_144] : memref<1x128x128xf32, #tpu.memory_space<vmem>> -> memref<1x128x128xf32, #tpu.memory_space<vmem>>
      %dma_start3A_146 = tpu.memref_squeeze %dma_start3A_145 : memref<1x128x128xf32, #tpu.memory_space<vmem>> -> memref<128x128xf32, #tpu.memory_space<vmem>>
      %dma_start3A_147 = arith.constant 0 : i32
      %dma_start3A_148 = tpu.memref_slice %arg11[%rem3A_63, %dma_start3A_141, %dma_start3A_147] : memref<2x1x128xi32, #tpu.memory_space<vmem>> -> memref<1x1x128xi32, #tpu.memory_space<vmem>>
      %dma_start3A_149 = tpu.memref_squeeze %dma_start3A_148 : memref<1x1x128xi32, #tpu.memory_space<vmem>> -> memref<128xi32, #tpu.memory_space<vmem>>
      %dma_start3A_150 = arith.constant 0 : i32
      %dma_start3A_151 = arith.constant 0 : i32
      %dma_start3A_152 = tpu.memref_slice %arg14[%dma_start3A_150, %dma_start3A_151] : memref<10240x128xf32, #tpu.memory_space<vmem_shared>> -> memref<10240x128xf32, #tpu.memory_space<vmem_shared>>
      %dma_start3A_153 = tpu.memref_slice %arg17[%dma_start3A_142] : memref<1x!tpu.dma_semaphore, #tpu.memory_space<semaphore_mem>> -> memref<1x!tpu.dma_semaphore, #tpu.memory_space<semaphore_mem>>
      %dma_start3A_154 = tpu.memref_squeeze %dma_start3A_153 : memref<1x!tpu.dma_semaphore, #tpu.memory_space<semaphore_mem>> -> memref<!tpu.dma_semaphore, #tpu.memory_space<semaphore_mem>>
      tpu.enqueue_indirect_dma source(%dma_start3A_146 : memref<128x128xf32, #tpu.memory_space<vmem>>) target(%dma_start3A_152 : memref<10240x128xf32, #tpu.memory_space<vmem_shared>>) offsets(%dma_start3A_149 : memref<128xi32, #tpu.memory_space<vmem>>) semaphore(%dma_start3A_154 : memref<!tpu.dma_semaphore, #tpu.memory_space<semaphore_mem>>) {add = true}
      %dma_start3A_155 = arith.constant 0 : i32
      %dma_start3A_156 = arith.constant 0 : i32
      %dma_start3A_157 = arith.constant 0 : i32
      %dma_start3A_158 = tpu.memref_slice %arg11[%rem3A_63, %dma_start3A_155, %dma_start3A_157] : memref<2x1x128xi32, #tpu.memory_space<vmem>> -> memref<1x1x128xi32, #tpu.memory_space<vmem>>
      %dma_start3A_159 = tpu.memref_squeeze %dma_start3A_158 : memref<1x1x128xi32, #tpu.memory_space<vmem>> -> memref<128xi32, #tpu.memory_space<vmem>>
      %dma_start3A_160 = arith.constant 0 : i32
      %dma_start3A_161 = arith.constant 0 : i32
      %dma_start3A_162 = tpu.memref_slice %arg15[%dma_start3A_160, %dma_start3A_161] : memref<10240x16xf32, #tpu.memory_space<vmem_shared>> -> memref<10240x16xf32, #tpu.memory_space<vmem_shared>>
      %dma_start3A_163 = tpu.memref_slice %arg18[%dma_start3A_156] : memref<1x!tpu.dma_semaphore, #tpu.memory_space<semaphore_mem>> -> memref<1x!tpu.dma_semaphore, #tpu.memory_space<semaphore_mem>>
      %dma_start3A_164 = tpu.memref_squeeze %dma_start3A_163 : memref<1x!tpu.dma_semaphore, #tpu.memory_space<semaphore_mem>> -> memref<!tpu.dma_semaphore, #tpu.memory_space<semaphore_mem>>
      tpu.enqueue_indirect_dma source(%arg13 : memref<128x16xf32, #tpu.memory_space<vmem>>) target(%dma_start3A_162 : memref<10240x16xf32, #tpu.memory_space<vmem_shared>>) offsets(%dma_start3A_159 : memref<128xi32, #tpu.memory_space<vmem>>) semaphore(%dma_start3A_164 : memref<!tpu.dma_semaphore, #tpu.memory_space<semaphore_mem>>) {add = true}
      %dma_wait3A_165 = arith.constant 0 : i32
      %dma_wait3A_166 = arith.constant 0 : i32
      %dma_wait3A_167 = arith.constant 0 : i32
      %dma_wait3A_168 = arith.constant 0 : i32
      %dma_wait3A_169 = arith.constant 0 : i32
      %dma_wait3A_170 = arith.constant 0 : i32
      %dma_wait3A_171 = tpu.memref_slice %arg12[%dma_wait3A_165, %dma_wait3A_169, %dma_wait3A_170] : memref<1x128x128xf32, #tpu.memory_space<vmem>> -> memref<1x128x128xf32, #tpu.memory_space<vmem>>
      %dma_wait3A_172 = tpu.memref_squeeze %dma_wait3A_171 : memref<1x128x128xf32, #tpu.memory_space<vmem>> -> memref<128x128xf32, #tpu.memory_space<vmem>>
      %dma_wait3A_173 = arith.constant 0 : i32
      %dma_wait3A_174 = tpu.memref_slice %arg10[%dma_wait3A_166, %dma_wait3A_167, %dma_wait3A_173] : memref<2x1x128xi32, #tpu.memory_space<vmem>> -> memref<1x1x128xi32, #tpu.memory_space<vmem>>
      %dma_wait3A_175 = tpu.memref_squeeze %dma_wait3A_174 : memref<1x1x128xi32, #tpu.memory_space<vmem>> -> memref<128xi32, #tpu.memory_space<vmem>>
      %dma_wait3A_176 = arith.constant 0 : i32
      %dma_wait3A_177 = arith.constant 0 : i32
      %dma_wait3A_178 = tpu.memref_slice %arg14[%dma_wait3A_176, %dma_wait3A_177] : memref<10240x128xf32, #tpu.memory_space<vmem_shared>> -> memref<10240x128xf32, #tpu.memory_space<vmem_shared>>
      %dma_wait3A_179 = tpu.memref_slice %arg17[%dma_wait3A_168] : memref<1x!tpu.dma_semaphore, #tpu.memory_space<semaphore_mem>> -> memref<1x!tpu.dma_semaphore, #tpu.memory_space<semaphore_mem>>
      %dma_wait3A_180 = tpu.memref_squeeze %dma_wait3A_179 : memref<1x!tpu.dma_semaphore, #tpu.memory_space<semaphore_mem>> -> memref<!tpu.dma_semaphore, #tpu.memory_space<semaphore_mem>>
      tpu.wait_indirect_dma semaphore(%dma_wait3A_180 : memref<!tpu.dma_semaphore, #tpu.memory_space<semaphore_mem>>) src(%dma_wait3A_172 : memref<128x128xf32, #tpu.memory_space<vmem>>) dst(%dma_wait3A_178 : memref<10240x128xf32, #tpu.memory_space<vmem_shared>>)
      %dma_wait3A_181 = arith.constant 0 : i32
      %dma_wait3A_182 = arith.constant 0 : i32
      %dma_wait3A_183 = arith.constant 0 : i32
      %dma_wait3A_184 = arith.constant 0 : i32
      %dma_wait3A_185 = tpu.memref_slice %arg10[%dma_wait3A_181, %dma_wait3A_182, %dma_wait3A_184] : memref<2x1x128xi32, #tpu.memory_space<vmem>> -> memref<1x1x128xi32, #tpu.memory_space<vmem>>
      %dma_wait3A_186 = tpu.memref_squeeze %dma_wait3A_185 : memref<1x1x128xi32, #tpu.memory_space<vmem>> -> memref<128xi32, #tpu.memory_space<vmem>>
      %dma_wait3A_187 = arith.constant 0 : i32
      %dma_wait3A_188 = arith.constant 0 : i32
      %dma_wait3A_189 = tpu.memref_slice %arg15[%dma_wait3A_187, %dma_wait3A_188] : memref<10240x16xf32, #tpu.memory_space<vmem_shared>> -> memref<10240x16xf32, #tpu.memory_space<vmem_shared>>
      %dma_wait3A_190 = tpu.memref_slice %arg18[%dma_wait3A_183] : memref<1x!tpu.dma_semaphore, #tpu.memory_space<semaphore_mem>> -> memref<1x!tpu.dma_semaphore, #tpu.memory_space<semaphore_mem>>
      %dma_wait3A_191 = tpu.memref_squeeze %dma_wait3A_190 : memref<1x!tpu.dma_semaphore, #tpu.memory_space<semaphore_mem>> -> memref<!tpu.dma_semaphore, #tpu.memory_space<semaphore_mem>>
      tpu.wait_indirect_dma semaphore(%dma_wait3A_191 : memref<!tpu.dma_semaphore, #tpu.memory_space<semaphore_mem>>) src(%arg13 : memref<128x16xf32, #tpu.memory_space<vmem>>) dst(%dma_wait3A_189 : memref<10240x16xf32, #tpu.memory_space<vmem_shared>>)
    }
    %scan3A_52 = arith.constant 79 : i32
    %barrier3A_53 = arith.constant 0 : index
    tpu.barrier barrier_id(%barrier3A_53)
    %mul3A_54 = arith.constant 640 : i32
    %mul3A_55 = arith.muli %arg1, %mul3A_54 : i32
    %mul3A_56 = arith.constant 640 : i32
    %mul3A_57 = arith.muli %arg1, %mul3A_56 : i32
    "tpu.region"() ({
      %run_scoped3A = tpu.sem_alloc : memref<!tpu.dma_semaphore, #tpu.memory_space<semaphore_mem>>
      %dma_start3A_62 = arith.constant 0 : i32
      %dma_start3A_63 = tpu.memref_slice %arg8[%arg0, %mul3A_57, %dma_start3A_62] : memref<2x10240x128xf32, #tpu.memory_space<hbm>> -> memref<1x640x128xf32, #tpu.memory_space<hbm>>
      %dma_start3A_64 = tpu.memref_squeeze %dma_start3A_63 : memref<1x640x128xf32, #tpu.memory_space<hbm>> -> memref<640x128xf32, #tpu.memory_space<hbm>>
      %dma_start3A_65 = arith.constant 0 : i32
      %dma_start3A_66 = tpu.memref_slice %arg14[%mul3A_55, %dma_start3A_65] : memref<10240x128xf32, #tpu.memory_space<vmem_shared>> -> memref<640x128xf32, #tpu.memory_space<vmem_shared>>
      tpu.enqueue_dma source(%dma_start3A_66 : memref<640x128xf32, #tpu.memory_space<vmem_shared>>) target(%dma_start3A_64 : memref<640x128xf32, #tpu.memory_space<hbm>>) target_semaphore(%run_scoped3A : memref<!tpu.dma_semaphore, #tpu.memory_space<semaphore_mem>>)
      %dma_wait3A = arith.constant 0 : i32
      %dma_wait3A_67 = tpu.memref_slice %arg8[%arg0, %mul3A_57, %dma_wait3A] : memref<2x10240x128xf32, #tpu.memory_space<hbm>> -> memref<1x640x128xf32, #tpu.memory_space<hbm>>
      %dma_wait3A_68 = tpu.memref_squeeze %dma_wait3A_67 : memref<1x640x128xf32, #tpu.memory_space<hbm>> -> memref<640x128xf32, #tpu.memory_space<hbm>>
      %dma_wait3A_69 = arith.constant 0 : i32
      %dma_wait3A_70 = tpu.memref_slice %arg14[%mul3A_55, %dma_wait3A_69] : memref<10240x128xf32, #tpu.memory_space<vmem_shared>> -> memref<640x128xf32, #tpu.memory_space<vmem_shared>>
      tpu.wait_dma2 semaphore(%run_scoped3A : memref<!tpu.dma_semaphore, #tpu.memory_space<semaphore_mem>>) src(%dma_wait3A_70 : memref<640x128xf32, #tpu.memory_space<vmem_shared>>) dst(%dma_wait3A_68 : memref<640x128xf32, #tpu.memory_space<hbm>>)
      tpu.yield
    }) : () -> ()
    %mul3A_58 = arith.constant 640 : i32
    %mul3A_59 = arith.muli %arg1, %mul3A_58 : i32
    %mul3A_60 = arith.constant 640 : i32
    %mul3A_61 = arith.muli %arg1, %mul3A_60 : i32
    "tpu.region"() ({
      %run_scoped3A = tpu.sem_alloc : memref<!tpu.dma_semaphore, #tpu.memory_space<semaphore_mem>>
      %dma_start3A_62 = arith.constant 0 : i32
      %dma_start3A_63 = tpu.memref_slice %arg9[%arg0, %mul3A_61, %dma_start3A_62] : memref<2x10240x16xf32, #tpu.memory_space<hbm>> -> memref<1x640x16xf32, #tpu.memory_space<hbm>>
      %dma_start3A_64 = tpu.memref_squeeze %dma_start3A_63 : memref<1x640x16xf32, #tpu.memory_space<hbm>> -> memref<640x16xf32, #tpu.memory_space<hbm>>
      %dma_start3A_65 = arith.constant 0 : i32
      %dma_start3A_66 = tpu.memref_slice %arg15[%mul3A_59, %dma_start3A_65] : memref<10240x16xf32, #tpu.memory_space<vmem_shared>> -> memref<640x16xf32, #tpu.memory_space<vmem_shared>>
      tpu.enqueue_dma source(%dma_start3A_66 : memref<640x16xf32, #tpu.memory_space<vmem_shared>>) target(%dma_start3A_64 : memref<640x16xf32, #tpu.memory_space<hbm>>) target_semaphore(%run_scoped3A : memref<!tpu.dma_semaphore, #tpu.memory_space<semaphore_mem>>)
      %dma_wait3A = arith.constant 0 : i32
      %dma_wait3A_67 = tpu.memref_slice %arg9[%arg0, %mul3A_61, %dma_wait3A] : memref<2x10240x16xf32, #tpu.memory_space<hbm>> -> memref<1x640x16xf32, #tpu.memory_space<hbm>>
      %dma_wait3A_68 = tpu.memref_squeeze %dma_wait3A_67 : memref<1x640x16xf32, #tpu.memory_space<hbm>> -> memref<640x16xf32, #tpu.memory_space<hbm>>
      %dma_wait3A_69 = arith.constant 0 : i32
      %dma_wait3A_70 = tpu.memref_slice %arg15[%mul3A_59, %dma_wait3A_69] : memref<10240x16xf32, #tpu.memory_space<vmem_shared>> -> memref<640x16xf32, #tpu.memory_space<vmem_shared>>
      tpu.wait_dma2 semaphore(%run_scoped3A : memref<!tpu.dma_semaphore, #tpu.memory_space<semaphore_mem>>) src(%dma_wait3A_70 : memref<640x16xf32, #tpu.memory_space<vmem_shared>>) dst(%dma_wait3A_68 : memref<640x16xf32, #tpu.memory_space<hbm>>)
      tpu.yield
    }) : () -> ()
    return
  }
}

module attributes {stable_mosaic.version = 14 : i64} {
  func.func @_combine_body(%arg0: i32, %arg1: memref<1024x128xf32, #tpu.memory_space<vmem>>, %arg2: memref<1024x128xf32, #tpu.memory_space<vmem>>, %arg3: memref<1024x16xf32, #tpu.memory_space<vmem>>, %arg4: memref<1024x16xf32, #tpu.memory_space<vmem>>, %arg5: memref<1024x128xf32, #tpu.memory_space<vmem>>) attributes {dimension_semantics = [#tpu.dimension_semantics<arbitrary>], iteration_bounds = array<i64: 10>, scalar_prefetch = 0 : i64, scratch_operands = 0 : i64, tpu.core_type = #tpu.core_type<tc>, window_params = [{transform_indices = @transform_0, window_bounds = array<i64: 1024, 128>}, {transform_indices = @transform_1, window_bounds = array<i64: 1024, 128>}, {transform_indices = @transform_2, window_bounds = array<i64: 1024, 16>}, {transform_indices = @transform_3, window_bounds = array<i64: 1024, 16>}, {transform_indices = @transform_4, window_bounds = array<i64: 1024, 128>}]} {
    %get3A = arith.constant 0 : index
    %get3A_0 = arith.constant 0 : index
    %get3A_1 = vector.load %arg3[%get3A, %get3A_0] : memref<1024x16xf32, #tpu.memory_space<vmem>>, vector<1024x1xf32>
    %get3A_2 = arith.constant 0 : index
    %get3A_3 = arith.constant 0 : index
    %get3A_4 = vector.load %arg4[%get3A_2, %get3A_3] : memref<1024x16xf32, #tpu.memory_space<vmem>>, vector<1024x1xf32>
    %add3A = arith.addf %get3A_1, %get3A_4 : vector<1024x1xf32>
    %gt3A = arith.constant 0.000000e+00 : f32
    %gt3A_5 = vector.broadcast %gt3A : f32 to vector<1024x1xf32>
    %gt3A_6 = arith.cmpf ogt, %add3A, %gt3A_5 : vector<1024x1xf32>
    %div3A = arith.constant 1.000000e+00 : f32
    %div3A_7 = vector.broadcast %div3A : f32 to vector<1024x1xf32>
    %div3A_8 = arith.divf %div3A_7, %add3A : vector<1024x1xf32>
    %jit3A = arith.constant 0.000000e+00 : f32
    %broadcast_in_dim3A = vector.broadcast %jit3A : f32 to vector<1024x1xf32>
    %select_n3A = arith.select %gt3A_6, %div3A_8, %broadcast_in_dim3A : vector<1024x1xi1>, vector<1024x1xf32>
    %get3A_9 = arith.constant 0 : index
    %get3A_10 = arith.constant 0 : index
    %get3A_11 = vector.load %arg1[%get3A_9, %get3A_10] : memref<1024x128xf32, #tpu.memory_space<vmem>>, vector<1024x128xf32>
    %get3A_12 = arith.constant 0 : index
    %get3A_13 = arith.constant 0 : index
    %get3A_14 = vector.load %arg2[%get3A_12, %get3A_13] : memref<1024x128xf32, #tpu.memory_space<vmem>>, vector<1024x128xf32>
    %add3A_15 = arith.addf %get3A_11, %get3A_14 : vector<1024x128xf32>
    %mul3A = vector.broadcast %select_n3A : vector<1024x1xf32> to vector<1024x128xf32>
    %mul3A_16 = arith.mulf %add3A_15, %mul3A : vector<1024x128xf32>
    %swap3A = arith.constant 0 : index
    %swap3A_17 = arith.constant 0 : index
    %swap3A_18 = vector.load %arg5[%swap3A, %swap3A_17] : memref<1024x128xf32, #tpu.memory_space<vmem>>, vector<1024x128xf32>
    tpu.vector_store %arg5[%swap3A, %swap3A_17], %mul3A_16 {strides = array<i32>} : memref<1024x128xf32, #tpu.memory_space<vmem>>, vector<1024x128xf32>,
    return
  }
  func.func @transform_0(%arg0: i32) -> (i32, i32) {
    %c0_i32 = arith.constant 0 : i32
    %c0_i32_0 = arith.constant 0 : i32
    return %arg0, %c0_i32 : i32, i32
  }
  func.func @transform_1(%arg0: i32) -> (i32, i32) {
    %c0_i32 = arith.constant 0 : i32
    %c0_i32_0 = arith.constant 0 : i32
    return %arg0, %c0_i32 : i32, i32
  }
  func.func @transform_2(%arg0: i32) -> (i32, i32) {
    %c0_i32 = arith.constant 0 : i32
    %c0_i32_0 = arith.constant 0 : i32
    return %arg0, %c0_i32 : i32, i32
  }
  func.func @transform_3(%arg0: i32) -> (i32, i32) {
    %c0_i32 = arith.constant 0 : i32
    %c0_i32_0 = arith.constant 0 : i32
    return %arg0, %c0_i32 : i32, i32
  }
  func.func @transform_4(%arg0: i32) -> (i32, i32) {
    %c0_i32 = arith.constant 0 : i32
    %c0_i32_0 = arith.constant 0 : i32
    return %arg0, %c0_i32 : i32, i32
  }
}

module attributes {stable_mosaic.version = 14 : i64} {
  func.func @_finish_body(%arg0: i32, %arg1: memref<1024x128xf32, #tpu.memory_space<vmem>>, %arg2: memref<1024x128xf32, #tpu.memory_space<vmem>>, %arg3: memref<1024x16xf32, #tpu.memory_space<vmem>>, %arg4: memref<1024x16xf32, #tpu.memory_space<vmem>>, %arg5: memref<128x128xf32, #tpu.memory_space<vmem>>, %arg6: memref<1x128xf32, #tpu.memory_space<vmem>>, %arg7: memref<128x128xf32, #tpu.memory_space<vmem>>, %arg8: memref<1x128xf32, #tpu.memory_space<vmem>>, %arg9: memref<128x128xf32, #tpu.memory_space<vmem>>, %arg10: memref<128x128xf32, #tpu.memory_space<vmem>>) attributes {dimension_semantics = [#tpu.dimension_semantics<arbitrary>], iteration_bounds = array<i64: 10>, scalar_prefetch = 0 : i64, scratch_operands = 1 : i64, tpu.core_type = #tpu.core_type<tc>, window_params = [{transform_indices = @transform_0, window_bounds = array<i64: 1024, 128>}, {transform_indices = @transform_1, window_bounds = array<i64: 1024, 128>}, {transform_indices = @transform_2, window_bounds = array<i64: 1024, 16>}, {transform_indices = @transform_3, window_bounds = array<i64: 1024, 16>}, {pipeline_mode = #tpu.pipeline_mode<synchronous>, transform_indices = @transform_4, window_bounds = array<i64: 128, 128>}, {pipeline_mode = #tpu.pipeline_mode<synchronous>, transform_indices = @transform_5, window_bounds = array<i64: 1, 128>}, {pipeline_mode = #tpu.pipeline_mode<synchronous>, transform_indices = @transform_6, window_bounds = array<i64: 128, 128>}, {pipeline_mode = #tpu.pipeline_mode<synchronous>, transform_indices = @transform_7, window_bounds = array<i64: 1, 128>}, {pipeline_mode = #tpu.pipeline_mode<synchronous>, transform_indices = @transform_8, window_bounds = array<i64: 128, 128>}]} {
    %eq3A = arith.constant 0 : i32
    %eq3A_0 = arith.cmpi eq, %arg0, %eq3A : i32
    %convert_element_type3A = arith.extui %eq3A_0 : i1 to i32
    %cond3A = arith.constant 0 : i32
    %cond3A_1 = arith.cmpi ne, %convert_element_type3A, %cond3A : i32
    scf.if %cond3A_1 {
      %broadcast_in_dim3A_56 = arith.constant 0.000000e+00 : f32
      %broadcast_in_dim3A_57 = vector.broadcast %broadcast_in_dim3A_56 : f32 to vector<128x128xf32>
      %swap3A_58 = arith.constant 0 : index
      %swap3A_59 = arith.constant 0 : index
      %swap3A_60 = vector.load %arg10[%swap3A_58, %swap3A_59] : memref<128x128xf32, #tpu.memory_space<vmem>>, vector<128x128xf32>
      tpu.vector_store %arg10[%swap3A_58, %swap3A_59], %broadcast_in_dim3A_57 {strides = array<i32>} : memref<128x128xf32, #tpu.memory_space<vmem>>, vector<128x128xf32>,
    } else {
    }
    %get3A = arith.constant 0 : index
    %get3A_2 = arith.constant 0 : index
    %get3A_3 = vector.load %arg3[%get3A, %get3A_2] : memref<1024x16xf32, #tpu.memory_space<vmem>>, vector<1024x1xf32>
    %get3A_4 = arith.constant 0 : index
    %get3A_5 = arith.constant 0 : index
    %get3A_6 = vector.load %arg4[%get3A_4, %get3A_5] : memref<1024x16xf32, #tpu.memory_space<vmem>>, vector<1024x1xf32>
    %add3A = arith.addf %get3A_3, %get3A_6 : vector<1024x1xf32>
    %gt3A = arith.constant 0.000000e+00 : f32
    %gt3A_7 = vector.broadcast %gt3A : f32 to vector<1024x1xf32>
    %gt3A_8 = arith.cmpf ogt, %add3A, %gt3A_7 : vector<1024x1xf32>
    %div3A = arith.constant 1.000000e+00 : f32
    %div3A_9 = vector.broadcast %div3A : f32 to vector<1024x1xf32>
    %div3A_10 = arith.divf %div3A_9, %add3A : vector<1024x1xf32>
    %jit3A = arith.constant 0.000000e+00 : f32
    %broadcast_in_dim3A = vector.broadcast %jit3A : f32 to vector<1024x1xf32>
    %select_n3A = arith.select %gt3A_8, %div3A_10, %broadcast_in_dim3A : vector<1024x1xi1>, vector<1024x1xf32>
    %get3A_11 = arith.constant 0 : index
    %get3A_12 = arith.constant 0 : index
    %get3A_13 = vector.load %arg1[%get3A_11, %get3A_12] : memref<1024x128xf32, #tpu.memory_space<vmem>>, vector<1024x128xf32>
    %get3A_14 = arith.constant 0 : index
    %get3A_15 = arith.constant 0 : index
    %get3A_16 = vector.load %arg2[%get3A_14, %get3A_15] : memref<1024x128xf32, #tpu.memory_space<vmem>>, vector<1024x128xf32>
    %add3A_17 = arith.addf %get3A_13, %get3A_16 : vector<1024x128xf32>
    %mul3A = vector.broadcast %select_n3A : vector<1024x1xf32> to vector<1024x128xf32>
    %mul3A_18 = arith.mulf %add3A_17, %mul3A : vector<1024x128xf32>
    %get3A_19 = arith.constant 0 : index
    %get3A_20 = arith.constant 0 : index
    %get3A_21 = vector.load %arg5[%get3A_19, %get3A_20] : memref<128x128xf32, #tpu.memory_space<vmem>>, vector<128x128xf32>
    %dot_general3A = arith.constant dense<0.000000e+00> : vector<1024x128xf32>
    %dot_general3A_22 = tpu.matmul %mul3A_18, %get3A_21, %dot_general3A {dimension_numbers = #tpu.dot_dimension_numbers<[1], [1], [0], [0], [0, 0, 1, 0], [], []>, precision = #tpu.contract_precision<fp32>, transpose_lhs_hint = false} : vector<1024x128xf32>, vector<128x128xf32>, vector<1024x128xf32> -> vector<1024x128xf32>
    %get3A_23 = arith.constant 0 : index
    %get3A_24 = arith.constant 0 : index
    %get3A_25 = vector.load %arg6[%get3A_23, %get3A_24] : memref<1x128xf32, #tpu.memory_space<vmem>>, vector<1x128xf32>
    %add3A_26 = vector.broadcast %get3A_25 : vector<1x128xf32> to vector<1024x128xf32>
    %add3A_27 = arith.addf %dot_general3A_22, %add3A_26 : vector<1024x128xf32>
    %ge3A = arith.constant 0.000000e+00 : f32
    %ge3A_28 = vector.broadcast %ge3A : f32 to vector<1024x128xf32>
    %ge3A_29 = arith.cmpf oge, %add3A_27, %ge3A_28 : vector<1024x128xf32>
    %mul3A_30 = arith.constant 0.00999999977 : f32
    %mul3A_31 = vector.broadcast %mul3A_30 : f32 to vector<1024x128xf32>
    %mul3A_32 = arith.mulf %mul3A_31, %add3A_27 : vector<1024x128xf32>
    %select_n3A_33 = arith.select %ge3A_29, %add3A_27, %mul3A_32 : vector<1024x128xi1>, vector<1024x128xf32>
    %mul3A_34 = arith.constant 1024 : i32
    %mul3A_35 = arith.muli %arg0, %mul3A_34 : i32
    %iota3A = tpu.iota {dimensions = array<i32: 0>} : vector<1024x128xi32>
    %add3A_36 = vector.broadcast %mul3A_35 : i32 to vector<1024x128xi32>
    %add3A_37 = arith.addi %add3A_36, %iota3A : vector<1024x128xi32>
    %lt3A = arith.constant 10000 : i32
    %lt3A_38 = vector.broadcast %lt3A : i32 to vector<1024x128xi32>
    %lt3A_39 = arith.cmpi slt, %add3A_37, %lt3A_38 : vector<1024x128xi32>
    %jit3A_40 = arith.constant 0.000000e+00 : f32
    %broadcast_in_dim3A_41 = vector.broadcast %jit3A_40 : f32 to vector<1024x128xf32>
    %select_n3A_42 = arith.select %lt3A_39, %select_n3A_33, %broadcast_in_dim3A_41 : vector<1024x128xi1>, vector<1024x128xf32>
    %get3A_43 = arith.constant 0 : index
    %get3A_44 = arith.constant 0 : index
    %get3A_45 = vector.load %arg10[%get3A_43, %get3A_44] : memref<128x128xf32, #tpu.memory_space<vmem>>, vector<128x128xf32>
    %dot_general3A_46 = arith.constant dense<0.000000e+00> : vector<128x128xf32>
    %dot_general3A_47 = tpu.matmul %select_n3A_42, %select_n3A_42, %dot_general3A_46 {dimension_numbers = #tpu.dot_dimension_numbers<[0], [0], [1], [1], [0, 1, 1, 1], [], []>, precision = #tpu.contract_precision<fp32>, transpose_lhs_hint = false} : vector<1024x128xf32>, vector<1024x128xf32>, vector<128x128xf32> -> vector<128x128xf32>
    %add3A_48 = arith.addf %get3A_45, %dot_general3A_47 : vector<128x128xf32>
    %swap3A = arith.constant 0 : index
    %swap3A_49 = arith.constant 0 : index
    %swap3A_50 = vector.load %arg10[%swap3A, %swap3A_49] : memref<128x128xf32, #tpu.memory_space<vmem>>, vector<128x128xf32>
    tpu.vector_store %arg10[%swap3A, %swap3A_49], %add3A_48 {strides = array<i32>} : memref<128x128xf32, #tpu.memory_space<vmem>>, vector<128x128xf32>,
    %eq3A_51 = arith.constant 9 : i32
    %eq3A_52 = arith.cmpi eq, %arg0, %eq3A_51 : i32
    %convert_element_type3A_53 = arith.extui %eq3A_52 : i1 to i32
    %cond3A_54 = arith.constant 0 : i32
    %cond3A_55 = arith.cmpi ne, %convert_element_type3A_53, %cond3A_54 : i32
    scf.if %cond3A_55 {
      %get3A_56 = arith.constant 0 : index
      %get3A_57 = arith.constant 0 : index
      %get3A_58 = vector.load %arg10[%get3A_56, %get3A_57] : memref<128x128xf32, #tpu.memory_space<vmem>>, vector<128x128xf32>
      %get3A_59 = arith.constant 0 : index
      %get3A_60 = arith.constant 0 : index
      %get3A_61 = vector.load %arg7[%get3A_59, %get3A_60] : memref<128x128xf32, #tpu.memory_space<vmem>>, vector<128x128xf32>
      %dot_general3A_62 = arith.constant dense<0.000000e+00> : vector<128x128xf32>
      %dot_general3A_63 = tpu.matmul %get3A_58, %get3A_61, %dot_general3A_62 {dimension_numbers = #tpu.dot_dimension_numbers<[1], [1], [0], [0], [0, 0, 1, 0], [], []>, precision = #tpu.contract_precision<fp32>, transpose_lhs_hint = false} : vector<128x128xf32>, vector<128x128xf32>, vector<128x128xf32> -> vector<128x128xf32>
      %get3A_64 = arith.constant 0 : index
      %get3A_65 = arith.constant 0 : index
      %get3A_66 = vector.load %arg8[%get3A_64, %get3A_65] : memref<1x128xf32, #tpu.memory_space<vmem>>, vector<1x128xf32>
      %add3A_67 = vector.broadcast %get3A_66 : vector<1x128xf32> to vector<128x128xf32>
      %add3A_68 = arith.addf %dot_general3A_63, %add3A_67 : vector<128x128xf32>
      %ge3A_69 = arith.constant 0.000000e+00 : f32
      %ge3A_70 = vector.broadcast %ge3A_69 : f32 to vector<128x128xf32>
      %ge3A_71 = arith.cmpf oge, %add3A_68, %ge3A_70 : vector<128x128xf32>
      %mul3A_72 = arith.constant 0.00999999977 : f32
      %mul3A_73 = vector.broadcast %mul3A_72 : f32 to vector<128x128xf32>
      %mul3A_74 = arith.mulf %mul3A_73, %add3A_68 : vector<128x128xf32>
      %select_n3A_75 = arith.select %ge3A_71, %add3A_68, %mul3A_74 : vector<128x128xi1>, vector<128x128xf32>
      %swap3A_76 = arith.constant 0 : index
      %swap3A_77 = arith.constant 0 : index
      %swap3A_78 = vector.load %arg9[%swap3A_76, %swap3A_77] : memref<128x128xf32, #tpu.memory_space<vmem>>, vector<128x128xf32>
      tpu.vector_store %arg9[%swap3A_76, %swap3A_77], %select_n3A_75 {strides = array<i32>} : memref<128x128xf32, #tpu.memory_space<vmem>>, vector<128x128xf32>,
    } else {
    }
    return
  }
  func.func @transform_0(%arg0: i32) -> (i32, i32) {
    %c0_i32 = arith.constant 0 : i32
    %c0_i32_0 = arith.constant 0 : i32
    return %arg0, %c0_i32 : i32, i32
  }
  func.func @transform_1(%arg0: i32) -> (i32, i32) {
    %c0_i32 = arith.constant 0 : i32
    %c0_i32_0 = arith.constant 0 : i32
    return %arg0, %c0_i32 : i32, i32
  }
  func.func @transform_2(%arg0: i32) -> (i32, i32) {
    %c0_i32 = arith.constant 0 : i32
    %c0_i32_0 = arith.constant 0 : i32
    return %arg0, %c0_i32 : i32, i32
  }
  func.func @transform_3(%arg0: i32) -> (i32, i32) {
    %c0_i32 = arith.constant 0 : i32
    %c0_i32_0 = arith.constant 0 : i32
    return %arg0, %c0_i32 : i32, i32
  }
  func.func @transform_4(%arg0: i32) -> (i32, i32) {
    %c0_i32 = arith.constant 0 : i32
    %c0_i32_0 = arith.constant 0 : i32
    %c0_i32_1 = arith.constant 0 : i32
    return %c0_i32, %c0_i32_0 : i32, i32
  }
  func.func @transform_5(%arg0: i32) -> (i32, i32) {
    %c0_i32 = arith.constant 0 : i32
    %c0_i32_0 = arith.constant 0 : i32
    %c0_i32_1 = arith.constant 0 : i32
    return %c0_i32, %c0_i32_0 : i32, i32
  }
  func.func @transform_6(%arg0: i32) -> (i32, i32) {
    %c0_i32 = arith.constant 0 : i32
    %c0_i32_0 = arith.constant 0 : i32
    %c0_i32_1 = arith.constant 0 : i32
    return %c0_i32, %c0_i32_0 : i32, i32
  }
  func.func @transform_7(%arg0: i32) -> (i32, i32) {
    %c0_i32 = arith.constant 0 : i32
    %c0_i32_0 = arith.constant 0 : i32
    %c0_i32_1 = arith.constant 0 : i32
    return %c0_i32, %c0_i32_0 : i32, i32
  }
  func.func @transform_8(%arg0: i32) -> (i32, i32) {
    %c0_i32 = arith.constant 0 : i32
    %c0_i32_0 = arith.constant 0 : i32
    %c0_i32_1 = arith.constant 0 : i32
    return %c0_i32, %c0_i32_0 : i32, i32
  }
}

</mosaic_0001>

<sc_bundles>
// kernel: kernel.6.cloned.1.call-start
scs
__scs_entry_jumppad:
0x0: {  	(pc) =	sbr.rel $0x88, $3  }
0x1: {  	(tag) =	ssettag $0x0;
	lr =	simm.s32 $0x1  }
0x2: {  	[smem:$0x3F9B] =	sst lr;
	_ =	strace $0xD0000000  }
0x3: {  	_ = 	snop  }
0x4: {  	_ = 	snop  }
0x5: {  	_ = 	snop  }
0x6: {  	_ = 	snop  }
0x7: {  	_ = 	snop  }
__scs_overlays_trampoline_lowered:
0x8: {  	[smem:$0x3FAA] =	sst s0  }
0x9: {  	[smem:$0x3FAB] =	sst s1  }
0xa: {  	[smem:$0x3FAC] =	sst s2  }
0xb: {  	[smem:$0x3FAD] =	sst s3  }
0xc: {  	[smem:$0x3FAE] =	sst s4  }
0xd: {  	[smem:$0x3FAF] =	sst s5  }
0xe: {  	[smem:$0x3FB0] =	sst s6  }
0xf: {  	[smem:$0x3FB1] =	sst s7  }
0x10: {  	[smem:$0x3FB2] =	sst s8  }
0x11: {  	[smem:$0x3FB3] =	sst s9;
	s0 =	simm.s32 @!p0 $0x0  }
0x12: {  	s1 =	sld [smem:$0x3F99];
	s0 =	simm.s32 @p0 $0x1  }
0x13: {  	[smem:$0x3FB4] =	sst s0;
	s0 =	simm.s32 @!p1 $0x0  }
0x14: {  	s2 =	sld [smem:$0x3F98];
	s0 =	simm.s32 @p1 $0x1  }
0x15: {  	[smem:$0x3FB5] =	sst s0;
	s0 =	simm.s32 @!p2 $0x0  }
0x16: {  	s3 =	sld [smem:$0x3FDB];
	s0 =	simm.s32 @p2 $0x1  }
0x17: {  	s4 =	simm.s32 $0x1BF5;
	[smem:$0x3FB7] =	sst s0  }
0x18: {  	s0 =	sld [smem:$0x3F9A];
	_ =	swait.ge [sflag:s4], $0x0  }
0x19: {  	s7 =	sld [smem:$0x3F9B]  }
0x1a: {  	s8 =	sadd.s32 $0xFFFFE003, lr  }
0x1b: {  	s9 =	sadd.s32 $0xFFFFFEF7, lr;
	s5 =	simm.s32 $0xFFFFFFFF;
	p2 =	slt.u32 s8, $0xFFFFF086  }
0x1c: {  	p1 =	slt.u32 s9, $0xF7A;
	s5 =	simm.s32 @!p2 $0x0  }
0x1d: {  	s5 =	simm.s32 @p1 $0x1;
	p0 =	seq.s32 s7, s2  }
0x1e: {  	s7 =	smul.u32 @!p0 $0xF7A, s2;
	p2 =	seq.s32 @!p0 s5, $0x0  }
0x1f: {  	s9 =	smul.u32 $0xF7A, s1;
	s8 =	simm.s32 @!p0 $0x1BF5;
	p2 =	por !p2, p0  }
0x20: {  	[sflag:s8] =	ssyncset.s32 @!p0 $0xFFFFF086;
	s6 =	sadd.s32 @!p0 s3, s7;
	s7 =	simm.s32 @!p0 $0x108  }
0x21: {  	s3 =	sadd.s32 s3, s9;
	s6 =	sadd.s32 @!p0 $0x88, s6;
	s7 =	simm.s32 @p2 $0x1082  }
0x22: {  	[simem:s7], [sflag:s8] =	dma.local @!p0 [hbm:s6], $0xF7A  }
0x23: {  	s9 =	sor.u32 $0xD0000000, s2;
	s6 =	simm.s32 $0x108;
	_ =	swait.ge @!p0 [sflag:s8], $0x0  }
0x24: {  	s3 =	sadd.s32 $0x88, s3;
	s6 =	simm.s32 @!p1 $0x1082;
	[sflag:s4] =	ssyncset.s32 $0xFFFFF086  }
0x25: {  	[simem:s6], [sflag:s4] =	dma.local [hbm:s3], $0xF7A  }
0x26: {  	[smem:$0x3F9B] =	sst s1;
	(tag) =	ssettag s2;
	_ =	strace s9  }
0x27: {  	s1 =	sld [smem:$0x3FAB]  }
0x28: {  	s2 =	sld [smem:$0x3FAC]  }
0x29: {  	s4 =	sld [smem:$0x3FAE]  }
0x2a: {  	p0 =	seq.s32 s5, $0x0;
	s5 =	sld [smem:$0x3FAF]  }
0x2b: {  	s6 =	sld [smem:$0x3FB0]  }
0x2c: {  	s7 =	sld [smem:$0x3FB1]  }
0x2d: {  	s3 =	simm.s32 $0x108;
	s8 =	sld [smem:$0x3FB2]  }
0x2e: {  	s3 =	simm.s32 @!p0 $0x1082;
	s9 =	sld [smem:$0x3FB3]  }
0x2f: {  	lr =	sadd.s32 s0, s3;
	s0 =	sld [smem:$0x3FAA]  }
0x30: {  	s3 =	sld [smem:$0x3FAD]  }
0x31: {  	[smem:$0x3FB6] =	sst s10  }
0x32: {  	s10 =	sld [smem:$0x3FB4];
	_ =	sdelay $0x3  }
0x33: {  	p0 =	seq.s32 s10, $0x1;
	s10 =	sld [smem:$0x3FB6];
	_ =	sdelay $0x3  }
0x34: {  	[smem:$0x3FB6] =	sst s10  }
0x35: {  	s10 =	sld [smem:$0x3FB5];
	_ =	sdelay $0x3  }
0x36: {  	p1 =	seq.s32 s10, $0x1;
	s10 =	sld [smem:$0x3FB6];
	_ =	sdelay $0x3  }
0x37: {  	[smem:$0x3FB6] =	sst s10  }
0x38: {  	s10 =	sld [smem:$0x3FB7]  }
0x39: {  	_ = 	snop;
	(pc) =	sbr.ind lr, $3  }
0x3a: {  	_ = 	snop  }
0x3b: {  	_ = 	snop  }
0x3c: {  	p2 =	seq.s32 s10, $0x1;
	s10 =	sld [smem:$0x3FB6]  }
0x3d: {  	_ =	shalt  }
0x3e: {  	_ =	shalt  }
0x3f: {  	_ =	shalt  }
0x40: {  	_ =	shalt  }
0x41: {  	_ =	shalt  }
0x42: {  	_ =	shalt  }
0x43: {  	_ =	shalt  }
0x44: {  	_ =	shalt  }
0x45: {  	_ =	shalt  }
0x46: {  	_ =	shalt  }
0x47: {  	_ =	shalt  }
0x48: {  	_ =	shalt  }
0x49: {  	_ =	shalt  }
0x4a: {  	_ =	shalt  }
0x4b: {  	_ =	shalt  }
0x4c: {  	_ =	shalt  }
0x4d: {  	_ =	shalt  }
0x4e: {  	_ =	shalt  }
0x4f: {  	_ =	shalt  }
0x50: {  	_ =	shalt  }
0x51: {  	_ =	shalt  }
0x52: {  	_ =	shalt  }
0x53: {  	_ =	shalt  }
0x54: {  	_ =	shalt  }
0x55: {  	_ =	shalt  }
0x56: {  	_ =	shalt  }
0x57: {  	_ =	shalt  }
0x58: {  	_ =	shalt  }
0x59: {  	_ =	shalt  }
0x5a: {  	_ =	shalt  }
0x5b: {  	_ =	shalt  }
0x5c: {  	_ =	shalt  }
0x5d: {  	_ =	shalt  }
0x5e: {  	_ =	shalt  }
0x5f: {  	_ =	shalt  }
0x60: {  	_ =	shalt  }
0x61: {  	_ =	shalt  }
0x62: {  	_ =	shalt  }
0x63: {  	_ =	shalt  }
0x64: {  	_ =	shalt  }
0x65: {  	_ =	shalt  }
0x66: {  	_ =	shalt  }
0x67: {  	_ =	shalt  }
0x68: {  	_ =	shalt  }
0x69: {  	_ =	shalt  }
0x6a: {  	_ =	shalt  }
0x6b: {  	_ =	shalt  }
0x6c: {  	_ =	shalt  }
0x6d: {  	_ =	shalt  }
0x6e: {  	_ =	shalt  }
0x6f: {  	_ =	shalt  }
0x70: {  	_ =	shalt  }
0x71: {  	_ =	shalt  }
0x72: {  	_ =	shalt  }
0x73: {  	_ =	shalt  }
0x74: {  	_ =	shalt  }
0x75: {  	_ =	shalt  }
0x76: {  	_ =	shalt  }
0x77: {  	_ =	shalt  }
0x78: {  	_ =	shalt  }
0x79: {  	_ =	shalt  }
0x7a: {  	_ =	shalt  }
0x7b: {  	_ =	shalt  }
0x7c: {  	_ =	shalt  }
0x7d: {  	_ =	shalt  }
0x7e: {  	_ =	shalt  }
0x7f: {  	_ =	shalt  }
0x80: {  	_ =	shalt  }
0x81: {  	_ =	shalt  }
0x82: {  	_ =	shalt  }
0x83: {  	_ =	shalt  }
0x84: {  	_ =	shalt  }
0x85: {  	_ =	shalt  }
0x86: {  	_ =	shalt  }
0x87: {  	_ =	shalt  }
.Lfunc_end0:
.L_simem_size_0:
called_computation_lowered:
.L_overlay_start_0:
0x88: {  	s2 =	sld [smem:$0x3FD9]  }
0x89: {  	s3 =	sld [smem:$0x3FFE];
	_ =	sdelay $0x1  }
0x8a: {  	s1 =	srdreg.scid  }
0x8b: {  	s0 =	sand.u32 $0x1, s1  }
0x8c: {  	s17 =	sshll.u32 s0, $0xA;
	s2 =	sadd.s32 s3, s2  }
0x8d: {  	s2 =	sadd.s32 s2, s17  }
0x8e: {  	[smem:$0x3FC2] =	sst s2  }
0x8f: {  	_ = 	snop  }
0x90: {  	s2 =	sld [smem:$0x3FD0];
	(tm) =	ssettm $0x1  }
0x91: {  	s18 =	sld [smem:$0x3FFB];
	_ =	sdelay $0x3  }
0x92: {  	_ =	strace s18  }
0x93: {  	s3 =	sld [smem:$0x3FFC];
	_ =	sdelay $0x3  }
0x94: {  	_ =	strace s3  }
0x95: {  	s3 =	sld [smem:$0x3FFD];
	_ =	sdelay $0x3  }
0x96: {  	_ =	strace s3  }
0x97: {  	_ =	strace $0x8FFFFFFF  }
0x98: {  	s19 =	sld [smem:$0x3FDB];
	_ =	sdelay $0x1  }
0x99: {  	s4 =	simm.s32 $_scs_section_size  }
0x9a: {  	s5 =	simm.s32 $_size__tile_overlayer_lowered;
	s6 =	simm.s32 $_tile_overlayer_lowered  }
0x9b: {  	s22 =	simm.s32 $0x1BFF;
	s21 =	sshll.u32 s6, $0x1;
	s3 =	sadd.s32 s4, s19  }
0x9c: {  	s7 =	simm.s32 $0x0;
	s20 =	sshll.u32 s5, $0x1;
	s5 =	sadd.s32 s21, s3  }
0x9d: {  	[timem:s7], [sflag:s22] =	dma.local [hbm:s5], s20  }
0x9e: {  	_ =	swait.ge [sflag:s22], s20  }
0x9f: {  	s4 =	ssub.s32 $0x0, s20;
	[sflag:s22] =	ssyncset.done $0x0  }
0xa0: {  	[sflag:s22] =	ssyncadd.s32 s4;
	_ =	sdelay $0x1  }
0xa1: {  	s23 =	simm.s32 $0x1B8B  }
0xa2: {  	_ =	swait.ge [sflag:s23], $0x1  }
0xa3: {  	[sflag:s23] =	ssyncset.done $0x0  }
0xa4: {  	s25 =	simm.s32 $0x1B8E;
	s24 =	sld [smem:$0x3FFE];
	[sflag:s23] =	ssyncadd.s32 $0xFFFFFFFF  }
0xa5: {  	s26 =	simm.s32 $execute0_lowered;
	[smem:$0x3FD2] =	sst s25  }
0xa6: {  	s5 =	sshll.u32 s26, $0x1;
	_ =	strace $0x80000046;
	[dreg:$0x1] =	wrdreg $0xFFFFFFFF  }
0xa7: {  	s28 =	simm.s32 $_size_execute0_lowered;
	s3 =	sadd.s32 s3, s5;
	[dreg:$0x0] =	wrdreg $0x0  }
0xa8: {  	s5 =	sshll.u32 s28, $0x1;
	[dreg:$0x2] =	wrdreg s3  }
0xa9: {  	[dreg:$0x3] =	wrdreg s5  }
0xaa: {  	[dreg:$0x4] =	wrdreg $0xC0  }
0xab: {  	_ =	task [dreg:s7], $0x5FFFF  }
0xac: {  	[dreg:$0x1] =	wrdreg $0xFFFFFFFF  }
0xad: {  	[dreg:$0x0] =	wrdreg $0x60  }
0xae: {  	[dreg:$0x2] =	wrdreg s24  }
0xaf: {  	[dreg:$0x3] =	wrdreg s2  }
0xb0: {  	[dreg:$0x4] =	wrdreg $0x4A000  }
0xb1: {  	[dreg:$0x5] =	wrdreg $0x18A000  }
0xb2: {  	[dreg:$0x6] =	wrdreg $0x9  }
0xb3: {  	_ =	task.clear_ibuf [dreg:s7], $0x7FFFF;
	_ =	strace $0x90000046  }
0xb4: {  	s29 =	simm.s32 $0x9;
	_ =	strace $0x80000048  }
0xb5: {  	_ =	swait.ge [sflag:s29], $0x1  }
0xb6: {  	[sflag:s29] =	ssyncadd.s32 $0xFFFFFFFF  }
0xb7: {  	_ =	strace $0x90000048  }
0xb8: {  	_ =	sfence  }
0xb9: {  	s30 =	sld [smem:$0x0];
	_ =	sdelay $0x2  }
0xba: {  	s31 =	sshll.u32 s1, $0xD;
	s1 =	sshrl.u32 s1, $0x2  }
0xbb: {  	s3 =	sand.u32 $0x4000, s31;
	s1 =	sadd.s32 s1, s30  }
0xbc: {  	s0 =	sor.u32 s3, s0;
	s1 =	sshll.u32 s1, $0x11  }
0xbd: {  	s0 =	sor.u32 s1, s0  }
0xbe: {  	s0 =	sadd.s32 $0x8F2B, s0  }
0xbf: {  	[sflag:s0] =	ssyncadd.remote.s32 $0x1  }
0xc0: {  	_ =	sfence.sel $0xFFFF  }
0xc1: {  	[dreg:$0x0] =	wrdreg $0xFFFFFFFF;
	(pc) =	sbr.abs _section_cstart, $3  }
0xc2: {  	[dreg:$0x1] =	wrdreg $0xFFFFFFFF  }
0xc3: {  	_ =	task.clear_ibuf [dreg:s7], $0x2FFFF;
	_ =	strace $0x9FFFFFFF  }
0xc4: {  	(tm) =	ssettm $0x7FFFFFFF  }
0xc5: {  	_ =	shalt  }
tec
execute0_lowered:
.L_overlay_start_1:
0x0: {  	(tag) =	ssettag $0x1  }
0x1: {  	s0 =	rddreg [dreg:$0x0]  }
0x2: {  	s2 =	rddreg [dreg:$0x2]  }
0x3: {  	s4 =	rddreg [dreg:$0x3];
	s5 =	simm.s32 $0x0;
	s19 =	stileid.u32  }
0x4: {  	s3 =	srdreg.scid;
	s28 =	simm.s32 $0x3;
	s29 =	simm.s32 $0x4  }
0x5: {  	s30 =	simm.s32 $0x0;
	[smem:$0x7FF] =	sst s5;
	s1 =	smul.u32 $0x14000, s19  }
0x6: {  	s6 =	sadd.s32 $0x2000, s0;
	s12 =	smul.u32 $0x2800, s19;
	s3 =	sand.u32 $0x1, s3  }
0x7: {  	s7 =	sadd.s32 $0xBE00, s0;
	s8 =	sadd.s32 $0x15C00, s0;
	s10 =	smul.u32 $0x140000, s3  }
0x8: {  	s14 =	sshll.u32 s19, $0x1;
	_ =	strace $0x80000047;
	s13 =	smul.u32 $0x28000, s3  }
0x9: {  	s16 =	sor.u32 s3, s14;
	s17 =	ssub.s32 $0x2, s3;
	s3 =	smul.u32 $0x2780, s3  }
0xa: {  	s9 =	sshrl.u32 s1, $0x3;
	s26 =	sshrl.u32 s12, $0x3;
	s20 =	sshrl.u32 s17, $0x1  }
0xb: {  	s11 =	sadd.s32 s9, s0;
	s10 =	sadd.s32 s1, s10;
	s15 =	sadd.s32 s26, s0  }
0xc: {  	s13 =	sadd.s32 s12, s13;
	s17 =	ssub.s32 s17, s20;
	s1 =	sadd.s32 s1, s2  }
0xd: {  	s31 =	sshrl.u32 s10, $0x3;
	s10 =	smul.u32 $0x2780, s16;
	s18 =	sshrl.u32 s13, $0x3  }
0xe: {  	s23 =	sadd.s32 $0x42C00, s11;
	s24 =	sadd.s32 $0x3DC00, s15;
	s15 =	smax.u32 s17, $0x1  }
0xf: {  	s17 =	simm.s32 $0x4200;
	s16 =	sadd.s32 s31, s0;
	[dreg:$0x7] =	wrdreg s23  }
0x10: {  	s0 =	sadd.s32 s18, s0;
	s18 =	smul.u32 $0x4F00, s19;
	[dreg:$0x8] =	wrdreg s24  }
0x11: {  	s31 =	sshll.u32 s19, $0x6;
	s19 =	simm.s32 $0x100;
	s23 =	simm.s32 $0x80  }
0x12: {  	s24 =	simm.s32 $0x200;
	s10 =	sshrl.u32 s10, $0x3;
	s25 =	sadd.s32 $0x6AC00, s16  }
0x13: {  	s14 =	sadd.s32 $0xBAC00, s0;
	s20 =	sor.u32 $0x1C06, s31;
	s21 =	sadd.s32 s6, s10  }
0x14: {  	s22 =	sadd.s32 s7, s10;
	[dreg:$0x9] =	wrdreg s25;
	s26 =	sadd.s32 s3, s18  }
0x15: {  	s18 =	simm.s32 $0x6;
	s25 =	simm.s32 $0x1;
	[dreg:$0x5] =	wrdreg s21  }
0x16: {  	[dreg:$0x6] =	wrdreg s22;
	s22 =	sadd.s32 s12, s4;
	s16 =	sadd.s32 $0x80, s26  }
0x17: {  	s21 =	sshrl.u32 s1, $0x3;
	s26 =	simm.s32 $0x2;
	s22 =	sshrl.u32 s22, $0x3  }
.LBB2_1:
0x18: {  	s0 =	rddreg [dreg:$0x1]  }
0x19: {  	[tilespmem:s17], [sflag:$0x6] =	stream.linear.gather [hbm4b:s0+s5], $0x800, $0x38;
	[tilespmem:$0x1B200] =	vst v63  }
0x1a: {  	_ =	swait.ge [sflag:s18], $0x800  }
0x1b: {  	[sflag:s18] =	ssyncset.done $0x0;
	s1 =	rddreg [dreg:$0x5]  }
0x1c: {  	s3 =	rddreg [dreg:$0x6];
	[sflag:s18] =	ssyncadd.s32 $0xFFFFF800  }
0x1d: {  	[tilespmem:s5], [sflag:$0x4] =	stream.linear.gather [hbm4b:s1+s5], $0x80, $0x38;
	[tilespmem:$0x1B200] =	vst v63  }
0x1e: {  	s9 =	rddreg [dreg:$0x7]  }
0x1f: {  	[tilespmem:s19], [sflag:$0x4] =	stream.linear.gather [hbm4b:s3+s5], $0x80, $0x38;
	[tilespmem:$0x1B200] =	vst v63  }
0x20: {  	[spmem:s21], [sflag:s20] =	dma.local [hbm:s9], $0x2800  }
0x21: {  	_ =	swait.ge [sflag:s18], $0x2800  }
0x22: {  	[sflag:s18] =	ssyncset.done $0x0  }
0x23: {  	s10 =	rddreg [dreg:$0x8];
	[sflag:s18] =	ssyncadd.s32 $0xFFFFD800  }
0x24: {  	[spmem:s22], [sflag:s20] =	dma.local [hbm:s10], $0x500  }
0x25: {  	_ =	swait.ge [sflag:s18], $0x500  }
0x26: {  	s11 =	simm.s32 $0x0;
	[sflag:s18] =	ssyncset.done $0x0  }
0x27: {  	s0 =	sand.u32 $0x1, s11;
	[sflag:s18] =	ssyncadd.s32 $0xFFFFFB00  }
0x28: {  	s1 =	sor.u32 $0x4, s0;
	[bflag:$0x0] =	sbarrier.arrive $0xFFFF  }
0x29: {  	_ =	swait.ge [sflag:s1], $0x80  }
0x2a: {  	[sflag:s1] =	ssyncset.done $0x0  }
0x2b: {  	[sflag:s1] =	ssyncadd.s32 $0xFFFFFF80  }
0x2c: {  	s3 =	sand.u32 $0x1, s25;
	_ =	swait.ge [sflag:s1], $0x80  }
0x2d: {  	s31 =	sshrl.u32 s16, $0x3;
	s12 =	sor.u32 $0x4, s3;
	[sflag:s1] =	ssyncset.done $0x0  }
0x2e: {  	s3 =	sshll.u32 s3, $0x7;
	s9 =	sadd.s32 s6, s31;
	[sflag:s1] =	ssyncadd.s32 $0xFFFFFF80  }
0x2f: {  	[tilespmem:s3], [sflag:s12] =	stream.linear.gather [hbm4b:s9+s5], $0x80, $0x38;
	[tilespmem:$0x1B200] =	vst v63  }
0x30: {  	s13 =	sadd.s32 s7, s31;
	s3 =	sor.u32 $0x100, s3  }
0x31: {  	[tilespmem:s3], [sflag:s12] =	stream.linear.gather [hbm4b:s13+s5], $0x80, $0x38;
	[tilespmem:$0x1B200] =	vst v63  }
0x32: {  	s0 =	sshll.u32 s0, $0x7  }
0x33: {  	[tilespmem:s24], [sflag:$0x1] =	stream.indirect.gather [hbm4b:s8+s23], $0x80, s0, s23, $0xb8;
	[tilespmem:$0x1B200] =	vst v63  }
0x34: {  	_ =	swait.ge [sflag:s25], $0x4000  }
0x35: {  	[sflag:s25] =	ssyncset.done $0x0  }
0x36: {  	s0 =	sor.u32 $0x100, s0;
	[sflag:s25] =	ssyncadd.s32 $0xFFFFC000  }
0x37: {  	[spmem:s2] =	stream.indirect.scatter.add.f32 [tilespmem:s24], [sflag:$0x2], $0x80, s0, s23, $0xb8;
	[tilespmem:$0x1B200] =	vst v63  }
0x38: {  	_ = 	snop  }
0x39: {  	[spmem:s4] =	stream.indirect.scatter.add.f32 [tilespmem:s17], [sflag:$0x3], $0x10, s0, s23, $0xb8;
	[tilespmem:$0x1B200] =	vst v63  }
0x3a: {  	_ =	swait.ge [sflag:s26], $0x4000  }
0x3b: {  	[sflag:s26] =	ssyncset.done $0x0  }
0x3c: {  	s31 =	sadd.s32 $0x80, s16;
	s1 =	simm.s32 $0x1;
	[sflag:s26] =	ssyncadd.s32 $0xFFFFC000  }
0x3d: {  	s3 =	simm.s32 $0x3;
	s0 =	simm.s32 $0x2;
	_ =	swait.ge [sflag:s28], $0x800  }
.LBB2_2:
0x3e: {  	s1 =	sand.u32 $0x1, s1  }
0x3f: {  	[sflag:s28] =	ssyncset.done $0x0;
	s9 =	smov.u32 s3;
	s10 =	sadd.s32 $0x1, s3  }
0x40: {  	p0 =	sne.s32 s3, $0x4E;
	s3 =	sor.u32 $0x4, s1;
	[sflag:s28] =	ssyncadd.s32 $0xFFFFF800  }
0x41: {  	_ =	swait.ge [sflag:s3], $0x80  }
0x42: {  	[sflag:s3] =	ssyncset.done $0x0  }
0x43: {  	[sflag:s3] =	ssyncadd.s32 $0xFFFFFF80  }
0x44: {  	_ =	swait.ge [sflag:s3], $0x80  }
0x45: {  	s0 =	sand.u32 $0x1, s0;
	s11 =	sshrl.u32 s31, $0x3;
	[sflag:s3] =	ssyncset.done $0x0  }
0x46: {  	[sflag:s3] =	ssyncadd.s32 $0xFFFFFF80;
	s3 =	sor.u32 $0x4, s0;
	s0 =	sshll.u32 s0, $0x7  }
0x47: {  	s12 =	sadd.s32 s6, s11;
	s11 =	sadd.s32 s7, s11;
	s13 =	sor.u32 $0x100, s0  }
0x48: {  	[tilespmem:s0], [sflag:s3] =	stream.linear.gather [hbm4b:s12+s5], $0x80, $0x38;
	[tilespmem:$0x1B200] =	vst v63  }
0x49: {  	s0 =	smov.u32 s9  }
0x4a: {  	[tilespmem:s13], [sflag:s3] =	stream.linear.gather [hbm4b:s11+s5], $0x80, $0x38;
	[tilespmem:$0x1B200] =	vst v63  }
0x4b: {  	s1 =	sshll.u32 s1, $0x7  }
0x4c: {  	[tilespmem:s24], [sflag:$0x1] =	stream.indirect.gather [hbm4b:s8+s23], $0x80, s1, s23, $0xb8;
	[tilespmem:$0x1B200] =	vst v63  }
0x4d: {  	_ =	swait.ge [sflag:s25], $0x4000  }
0x4e: {  	s1 =	sor.u32 $0x100, s1;
	[sflag:s25] =	ssyncset.done $0x0  }
0x4f: {  	[sflag:s25] =	ssyncadd.s32 $0xFFFFC000  }
0x50: {  	[spmem:s2] =	stream.indirect.scatter.add.f32 [tilespmem:s24], [sflag:$0x2], $0x80, s1, s23, $0xb8;
	[tilespmem:$0x1B200] =	vst v63  }
0x51: {  	_ = 	snop  }
0x52: {  	[spmem:s4] =	stream.indirect.scatter.add.f32 [tilespmem:s17], [sflag:$0x3], $0x10, s1, s23, $0xb8;
	[tilespmem:$0x1B200] =	vst v63  }
.Ltmp0:
0x53: {  	_ = 	snop;
	(pc) =	sbr.rel @p0 .LBB2_2-.Ltmp0, $4  }
0x54: {  	_ =	swait.ge [sflag:s26], $0x4000  }
0x55: {  	[sflag:s26] =	ssyncset.done $0x0  }
0x56: {  	s31 =	sadd.s32 $0x80, s31;
	[sflag:s26] =	ssyncadd.s32 $0xFFFFC000  }
0x57: {  	s3 =	smov.u32 s10;
	s1 =	sadd.s32 $0xFFFFFFFF, s0;
	_ =	swait.ge [sflag:s28], $0x800  }
0x58: {  	s1 =	sand.u32 $0x1, s1;
	[sflag:s28] =	ssyncset.done $0x0  }
0x59: {  	s3 =	sor.u32 $0x4, s1;
	[sflag:s28] =	ssyncadd.s32 $0xFFFFF800  }
0x5a: {  	_ =	swait.ge [sflag:s3], $0x80  }
0x5b: {  	[sflag:s3] =	ssyncset.done $0x0  }
0x5c: {  	[sflag:s3] =	ssyncadd.s32 $0xFFFFFF80  }
0x5d: {  	s0 =	sand.u32 $0x1, s0;
	_ =	swait.ge [sflag:s3], $0x80  }
0x5e: {  	s9 =	sshrl.u32 s31, $0x3;
	s12 =	sor.u32 $0x4, s0;
	[sflag:s3] =	ssyncset.done $0x0  }
0x5f: {  	s0 =	sshll.u32 s0, $0x7;
	s10 =	sadd.s32 s6, s9;
	[sflag:s3] =	ssyncadd.s32 $0xFFFFFF80  }
0x60: {  	[tilespmem:s0], [sflag:s12] =	stream.linear.gather [hbm4b:s10+s5], $0x80, $0x38;
	[tilespmem:$0x1B200] =	vst v63  }
0x61: {  	s9 =	sadd.s32 s7, s9;
	s0 =	sor.u32 $0x100, s0  }
0x62: {  	[tilespmem:s0], [sflag:s12] =	stream.linear.gather [hbm4b:s9+s5], $0x80, $0x38;
	[tilespmem:$0x1B200] =	vst v63  }
0x63: {  	s13 =	sshll.u32 s1, $0x7  }
0x64: {  	[tilespmem:s24], [sflag:$0x1] =	stream.indirect.gather [hbm4b:s8+s23], $0x80, s13, s23, $0xb8;
	[tilespmem:$0x1B200] =	vst v63  }
0x65: {  	_ =	swait.ge [sflag:s25], $0x4000  }
0x66: {  	[sflag:s25] =	ssyncset.done $0x0  }
0x67: {  	s0 =	sor.u32 $0x100, s13;
	[sflag:s25] =	ssyncadd.s32 $0xFFFFC000  }
0x68: {  	[spmem:s2] =	stream.indirect.scatter.add.f32 [tilespmem:s24], [sflag:$0x2], $0x80, s0, s23, $0xb8;
	[tilespmem:$0x1B200] =	vst v63  }
0x69: {  	_ = 	snop  }
0x6a: {  	[spmem:s4] =	stream.indirect.scatter.add.f32 [tilespmem:s17], [sflag:$0x3], $0x10, s0, s23, $0xb8;
	[tilespmem:$0x1B200] =	vst v63  }
0x6b: {  	_ =	swait.ge [sflag:s26], $0x4000  }
0x6c: {  	[sflag:s26] =	ssyncset.done $0x0  }
0x6d: {  	[sflag:s26] =	ssyncadd.s32 $0xFFFFC000  }
0x6e: {  	_ =	swait.ge [sflag:s28], $0x800  }
0x6f: {  	[sflag:s28] =	ssyncset.done $0x0  }
0x70: {  	[sflag:s28] =	ssyncadd.s32 $0xFFFFF800  }
0x71: {  	_ =	swait.ge [sflag:s29], $0x80  }
0x72: {  	[sflag:s29] =	ssyncset.done $0x0  }
0x73: {  	[sflag:s29] =	ssyncadd.s32 $0xFFFFFF80  }
0x74: {  	_ =	swait.ge [sflag:s29], $0x80  }
0x75: {  	[sflag:s29] =	ssyncset.done $0x0  }
0x76: {  	[sflag:s29] =	ssyncadd.s32 $0xFFFFFF80  }
0x77: {  	[tilespmem:s24], [sflag:$0x1] =	stream.indirect.gather [hbm4b:s8+s23], $0x80, s5, s23, $0xb8;
	[tilespmem:$0x1B200] =	vst v63  }
0x78: {  	_ =	swait.ge [sflag:s25], $0x4000  }
0x79: {  	[sflag:s25] =	ssyncset.done $0x0  }
0x7a: {  	[sflag:s25] =	ssyncadd.s32 $0xFFFFC000  }
0x7b: {  	[spmem:s2] =	stream.indirect.scatter.add.f32 [tilespmem:s24], [sflag:$0x2], $0x80, s19, s23, $0xb8;
	[tilespmem:$0x1B200] =	vst v63  }
0x7c: {  	_ = 	snop  }
0x7d: {  	[spmem:s4] =	stream.indirect.scatter.add.f32 [tilespmem:s17], [sflag:$0x3], $0x10, s19, s23, $0xb8;
	[tilespmem:$0x1B200] =	vst v63  }
0x7e: {  	_ =	swait.ge [sflag:s26], $0x4000  }
0x7f: {  	[sflag:s26] =	ssyncset.done $0x0  }
0x80: {  	[sflag:s26] =	ssyncadd.s32 $0xFFFFC000  }
0x81: {  	_ =	swait.ge [sflag:s28], $0x800  }
0x82: {  	[sflag:s28] =	ssyncset.done $0x0  }
0x83: {  	[sflag:s28] =	ssyncadd.s32 $0xFFFFF800  }
0x84: {  	[bflag:$0x0] =	sbarrier.arrive $0xFFFF  }
0x85: {  	s31 =	rddreg [dreg:$0x9]  }
0x86: {  	[hbm:s31], [sflag:s20] =	dma.local [spmem:s21], $0x2800  }
0x87: {  	s30 =	sadd.s32 $0x1, s30;
	_ =	swait.ge [sflag:s18], $0x2800  }
0x88: {  	p0 =	sne.s32 s30, s15;
	[sflag:s18] =	ssyncset.done $0x0  }
.Ltmp1:
0x89: {  	[sflag:s18] =	ssyncadd.s32 $0xFFFFD800;
	(pc) =	sbr.rel @p0 .LBB2_1-.Ltmp1, $4  }
0x8a: {  	[hbm:s14], [sflag:s20] =	dma.local [spmem:s22], $0x500  }
0x8b: {  	_ =	swait.ge [sflag:s18], $0x500  }
0x8c: {  	[sflag:s18] =	ssyncset.done $0x0  }
0x8d: {  	[sflag:s18] =	ssyncadd.s32 $0xFFFFFB00  }
0x8e: {  	_ =	sfence.sel $0x180000  }
0x8f: {  	[bflag:$0x0] =	sbarrier.arrive $0xFFFF  }
0x90: {  	_ =	strace $0x90000047  }
0x91: {  	s0 =	stileid.u32;
	[bflag:$0x2] =	sbarrier.arrive $0xFFFF  }
0x92: {  	p0 =	sne.s32 s0, $0x0;
	s0 =	rddreg [dreg:$0x4]  }
0x93: {  	s0 =	sadd.s32 @!p0 $0x100000, s0  }
0x94: {  	[sflag:s0] =	ssyncadd.tile.s32 @!p0 $0x1;
	_ =	shalt  }
.Lfunc_end2:
_tile_overlayer_lowered:
.L_overlay_start_2:
0x95: {  	(tag) =	ssettag $0x2  }
0x96: {  	s0 =	rddreg [dreg:$0x0];
	s2 =	stileid.u32  }
0x97: {  	s1 =	rddreg [dreg:$0x1];
	p0 =	sne.s32 s2, $0x0  }
0x98: {  	s3 =	rddreg [dreg:$0x2];
	[bflag:$0x3] =	sbarrier.arrive $0xFFFF;
	s2 =	simm.s32 @!p0 $0x1C06  }
0x99: {  	[timem:s3], [sflag:s2] =	dma.local @!p0 [hbm:s0], s1  }
0x9a: {  	s0 =	simm.s32 @!p0 $0x6  }
0x9b: {  	_ =	swait.ge @!p0 [sflag:s0], s1  }
0x9c: {  	s1 =	ssub.s32 @!p0 $0x0, s1;
	[sflag:s0] =	ssyncset.done @!p0 $0x0  }
0x9d: {  	[sflag:s0] =	ssyncadd.s32 @!p0 s1  }
0x9e: {  	[bflag:$0x3] =	sbarrier.arrive $0xFFFF  }
0x9f: {  	_ =	shalt  }

// kernel: kernel.9.cloned.1.call-start
scs
__scs_entry_jumppad:
0x0: {  	(pc) =	sbr.rel $0x88, $3  }
0x1: {  	(tag) =	ssettag $0x0;
	lr =	simm.s32 $0x1  }
0x2: {  	[smem:$0x3F9B] =	sst lr;
	_ =	strace $0xD0000000  }
0x3: {  	_ = 	snop  }
0x4: {  	_ = 	snop  }
0x5: {  	_ = 	snop  }
0x6: {  	_ = 	snop  }
0x7: {  	_ = 	snop  }
__scs_overlays_trampoline_lowered:
0x8: {  	[smem:$0x3FAA] =	sst s0  }
0x9: {  	[smem:$0x3FAB] =	sst s1  }
0xa: {  	[smem:$0x3FAC] =	sst s2  }
0xb: {  	[smem:$0x3FAD] =	sst s3  }
0xc: {  	[smem:$0x3FAE] =	sst s4  }
0xd: {  	[smem:$0x3FAF] =	sst s5  }
0xe: {  	[smem:$0x3FB0] =	sst s6  }
0xf: {  	[smem:$0x3FB1] =	sst s7  }
0x10: {  	[smem:$0x3FB2] =	sst s8  }
0x11: {  	[smem:$0x3FB3] =	sst s9;
	s0 =	simm.s32 @!p0 $0x0  }
0x12: {  	s1 =	sld [smem:$0x3F99];
	s0 =	simm.s32 @p0 $0x1  }
0x13: {  	[smem:$0x3FB4] =	sst s0;
	s0 =	simm.s32 @!p1 $0x0  }
0x14: {  	s2 =	sld [smem:$0x3F98];
	s0 =	simm.s32 @p1 $0x1  }
0x15: {  	[smem:$0x3FB5] =	sst s0;
	s0 =	simm.s32 @!p2 $0x0  }
0x16: {  	s3 =	sld [smem:$0x3FDB];
	s0 =	simm.s32 @p2 $0x1  }
0x17: {  	s4 =	simm.s32 $0x1BF5;
	[smem:$0x3FB7] =	sst s0  }
0x18: {  	s0 =	sld [smem:$0x3F9A];
	_ =	swait.ge [sflag:s4], $0x0  }
0x19: {  	s7 =	sld [smem:$0x3F9B]  }
0x1a: {  	s8 =	sadd.s32 $0xFFFFE003, lr  }
0x1b: {  	s9 =	sadd.s32 $0xFFFFFEF7, lr;
	s5 =	simm.s32 $0xFFFFFFFF;
	p2 =	slt.u32 s8, $0xFFFFF086  }
0x1c: {  	p1 =	slt.u32 s9, $0xF7A;
	s5 =	simm.s32 @!p2 $0x0  }
0x1d: {  	s5 =	simm.s32 @p1 $0x1;
	p0 =	seq.s32 s7, s2  }
0x1e: {  	s7 =	smul.u32 @!p0 $0xF7A, s2;
	p2 =	seq.s32 @!p0 s5, $0x0  }
0x1f: {  	s9 =	smul.u32 $0xF7A, s1;
	s8 =	simm.s32 @!p0 $0x1BF5;
	p2 =	por !p2, p0  }
0x20: {  	[sflag:s8] =	ssyncset.s32 @!p0 $0xFFFFF086;
	s6 =	sadd.s32 @!p0 s3, s7;
	s7 =	simm.s32 @!p0 $0x108  }
0x21: {  	s3 =	sadd.s32 s3, s9;
	s6 =	sadd.s32 @!p0 $0x88, s6;
	s7 =	simm.s32 @p2 $0x1082  }
0x22: {  	[simem:s7], [sflag:s8] =	dma.local @!p0 [hbm:s6], $0xF7A  }
0x23: {  	s9 =	sor.u32 $0xD0000000, s2;
	s6 =	simm.s32 $0x108;
	_ =	swait.ge @!p0 [sflag:s8], $0x0  }
0x24: {  	s3 =	sadd.s32 $0x88, s3;
	s6 =	simm.s32 @!p1 $0x1082;
	[sflag:s4] =	ssyncset.s32 $0xFFFFF086  }
0x25: {  	[simem:s6], [sflag:s4] =	dma.local [hbm:s3], $0xF7A  }
0x26: {  	[smem:$0x3F9B] =	sst s1;
	(tag) =	ssettag s2;
	_ =	strace s9  }
0x27: {  	s1 =	sld [smem:$0x3FAB]  }
0x28: {  	s2 =	sld [smem:$0x3FAC]  }
0x29: {  	s4 =	sld [smem:$0x3FAE]  }
0x2a: {  	p0 =	seq.s32 s5, $0x0;
	s5 =	sld [smem:$0x3FAF]  }
0x2b: {  	s6 =	sld [smem:$0x3FB0]  }
0x2c: {  	s7 =	sld [smem:$0x3FB1]  }
0x2d: {  	s3 =	simm.s32 $0x108;
	s8 =	sld [smem:$0x3FB2]  }
0x2e: {  	s3 =	simm.s32 @!p0 $0x1082;
	s9 =	sld [smem:$0x3FB3]  }
0x2f: {  	lr =	sadd.s32 s0, s3;
	s0 =	sld [smem:$0x3FAA]  }
0x30: {  	s3 =	sld [smem:$0x3FAD]  }
0x31: {  	[smem:$0x3FB6] =	sst s10  }
0x32: {  	s10 =	sld [smem:$0x3FB4];
	_ =	sdelay $0x3  }
0x33: {  	p0 =	seq.s32 s10, $0x1;
	s10 =	sld [smem:$0x3FB6];
	_ =	sdelay $0x3  }
0x34: {  	[smem:$0x3FB6] =	sst s10  }
0x35: {  	s10 =	sld [smem:$0x3FB5];
	_ =	sdelay $0x3  }
0x36: {  	p1 =	seq.s32 s10, $0x1;
	s10 =	sld [smem:$0x3FB6];
	_ =	sdelay $0x3  }
0x37: {  	[smem:$0x3FB6] =	sst s10  }
0x38: {  	s10 =	sld [smem:$0x3FB7]  }
0x39: {  	_ = 	snop;
	(pc) =	sbr.ind lr, $3  }
0x3a: {  	_ = 	snop  }
0x3b: {  	_ = 	snop  }
0x3c: {  	p2 =	seq.s32 s10, $0x1;
	s10 =	sld [smem:$0x3FB6]  }
0x3d: {  	_ =	shalt  }
0x3e: {  	_ =	shalt  }
0x3f: {  	_ =	shalt  }
0x40: {  	_ =	shalt  }
0x41: {  	_ =	shalt  }
0x42: {  	_ =	shalt  }
0x43: {  	_ =	shalt  }
0x44: {  	_ =	shalt  }
0x45: {  	_ =	shalt  }
0x46: {  	_ =	shalt  }
0x47: {  	_ =	shalt  }
0x48: {  	_ =	shalt  }
0x49: {  	_ =	shalt  }
0x4a: {  	_ =	shalt  }
0x4b: {  	_ =	shalt  }
0x4c: {  	_ =	shalt  }
0x4d: {  	_ =	shalt  }
0x4e: {  	_ =	shalt  }
0x4f: {  	_ =	shalt  }
0x50: {  	_ =	shalt  }
0x51: {  	_ =	shalt  }
0x52: {  	_ =	shalt  }
0x53: {  	_ =	shalt  }
0x54: {  	_ =	shalt  }
0x55: {  	_ =	shalt  }
0x56: {  	_ =	shalt  }
0x57: {  	_ =	shalt  }
0x58: {  	_ =	shalt  }
0x59: {  	_ =	shalt  }
0x5a: {  	_ =	shalt  }
0x5b: {  	_ =	shalt  }
0x5c: {  	_ =	shalt  }
0x5d: {  	_ =	shalt  }
0x5e: {  	_ =	shalt  }
0x5f: {  	_ =	shalt  }
0x60: {  	_ =	shalt  }
0x61: {  	_ =	shalt  }
0x62: {  	_ =	shalt  }
0x63: {  	_ =	shalt  }
0x64: {  	_ =	shalt  }
0x65: {  	_ =	shalt  }
0x66: {  	_ =	shalt  }
0x67: {  	_ =	shalt  }
0x68: {  	_ =	shalt  }
0x69: {  	_ =	shalt  }
0x6a: {  	_ =	shalt  }
0x6b: {  	_ =	shalt  }
0x6c: {  	_ =	shalt  }
0x6d: {  	_ =	shalt  }
0x6e: {  	_ =	shalt  }
0x6f: {  	_ =	shalt  }
0x70: {  	_ =	shalt  }
0x71: {  	_ =	shalt  }
0x72: {  	_ =	shalt  }
0x73: {  	_ =	shalt  }
0x74: {  	_ =	shalt  }
0x75: {  	_ =	shalt  }
0x76: {  	_ =	shalt  }
0x77: {  	_ =	shalt  }
0x78: {  	_ =	shalt  }
0x79: {  	_ =	shalt  }
0x7a: {  	_ =	shalt  }
0x7b: {  	_ =	shalt  }
0x7c: {  	_ =	shalt  }
0x7d: {  	_ =	shalt  }
0x7e: {  	_ =	shalt  }
0x7f: {  	_ =	shalt  }
0x80: {  	_ =	shalt  }
0x81: {  	_ =	shalt  }
0x82: {  	_ =	shalt  }
0x83: {  	_ =	shalt  }
0x84: {  	_ =	shalt  }
0x85: {  	_ =	shalt  }
0x86: {  	_ =	shalt  }
0x87: {  	_ =	shalt  }
.Lfunc_end0:
.L_simem_size_0:
called_computation.1_lowered:
.L_overlay_start_0:
0x88: {  	s2 =	sld [smem:$0x3FD9]  }
0x89: {  	s3 =	sld [smem:$0x3FFE];
	_ =	sdelay $0x1  }
0x8a: {  	s1 =	srdreg.scid  }
0x8b: {  	s0 =	sand.u32 $0x1, s1  }
0x8c: {  	s17 =	sshll.u32 s0, $0xA;
	s2 =	sadd.s32 s3, s2  }
0x8d: {  	s2 =	sadd.s32 s2, s17  }
0x8e: {  	[smem:$0x3FC2] =	sst s2  }
0x8f: {  	_ = 	snop  }
0x90: {  	s2 =	sld [smem:$0x3FD0];
	(tm) =	ssettm $0x1  }
0x91: {  	s18 =	sld [smem:$0x3FFB];
	_ =	sdelay $0x3  }
0x92: {  	_ =	strace s18  }
0x93: {  	s3 =	sld [smem:$0x3FFC];
	_ =	sdelay $0x3  }
0x94: {  	_ =	strace s3  }
0x95: {  	s3 =	sld [smem:$0x3FFD];
	_ =	sdelay $0x3  }
0x96: {  	_ =	strace s3  }
0x97: {  	_ =	strace $0x8FFFFFFF  }
0x98: {  	s19 =	sld [smem:$0x3FDB];
	_ =	sdelay $0x1  }
0x99: {  	s4 =	simm.s32 $_scs_section_size  }
0x9a: {  	s5 =	simm.s32 $_size__tile_overlayer_lowered;
	s6 =	simm.s32 $_tile_overlayer_lowered  }
0x9b: {  	s22 =	simm.s32 $0x1BFF;
	s21 =	sshll.u32 s6, $0x1;
	s3 =	sadd.s32 s4, s19  }
0x9c: {  	s7 =	simm.s32 $0x0;
	s20 =	sshll.u32 s5, $0x1;
	s5 =	sadd.s32 s21, s3  }
0x9d: {  	[timem:s7], [sflag:s22] =	dma.local [hbm:s5], s20  }
0x9e: {  	_ =	swait.ge [sflag:s22], s20  }
0x9f: {  	s4 =	ssub.s32 $0x0, s20;
	[sflag:s22] =	ssyncset.done $0x0  }
0xa0: {  	[sflag:s22] =	ssyncadd.s32 s4;
	_ =	sdelay $0x1  }
0xa1: {  	s23 =	simm.s32 $0x1B8B  }
0xa2: {  	_ =	swait.ge [sflag:s23], $0x1  }
0xa3: {  	[sflag:s23] =	ssyncset.done $0x0  }
0xa4: {  	s25 =	simm.s32 $0x1B8E;
	s24 =	sld [smem:$0x3FFE];
	[sflag:s23] =	ssyncadd.s32 $0xFFFFFFFF  }
0xa5: {  	s26 =	simm.s32 $execute0_lowered;
	[smem:$0x3FD2] =	sst s25  }
0xa6: {  	s5 =	sshll.u32 s26, $0x1;
	_ =	strace $0x80000049;
	[dreg:$0x1] =	wrdreg $0xFFFFFFFF  }
0xa7: {  	s28 =	simm.s32 $_size_execute0_lowered;
	s3 =	sadd.s32 s3, s5;
	[dreg:$0x0] =	wrdreg $0x0  }
0xa8: {  	s5 =	sshll.u32 s28, $0x1;
	[dreg:$0x2] =	wrdreg s3  }
0xa9: {  	[dreg:$0x3] =	wrdreg s5  }
0xaa: {  	[dreg:$0x4] =	wrdreg $0xC0  }
0xab: {  	_ =	task [dreg:s7], $0x5FFFF  }
0xac: {  	[dreg:$0x1] =	wrdreg $0xFFFFFFFF  }
0xad: {  	[dreg:$0x0] =	wrdreg $0x60  }
0xae: {  	[dreg:$0x2] =	wrdreg s24  }
0xaf: {  	[dreg:$0x3] =	wrdreg s2  }
0xb0: {  	[dreg:$0x4] =	wrdreg $0x4A000  }
0xb1: {  	[dreg:$0x5] =	wrdreg $0x18A000  }
0xb2: {  	[dreg:$0x6] =	wrdreg $0x9  }
0xb3: {  	_ =	task.clear_ibuf [dreg:s7], $0x7FFFF;
	_ =	strace $0x90000049  }
0xb4: {  	s29 =	simm.s32 $0x9;
	_ =	strace $0x8000004B  }
0xb5: {  	_ =	swait.ge [sflag:s29], $0x1  }
0xb6: {  	[sflag:s29] =	ssyncadd.s32 $0xFFFFFFFF  }
0xb7: {  	_ =	strace $0x9000004B  }
0xb8: {  	_ =	sfence  }
0xb9: {  	s30 =	sld [smem:$0x0];
	_ =	sdelay $0x2  }
0xba: {  	s31 =	sshll.u32 s1, $0xD;
	s1 =	sshrl.u32 s1, $0x2  }
0xbb: {  	s3 =	sand.u32 $0x4000, s31;
	s1 =	sadd.s32 s1, s30  }
0xbc: {  	s0 =	sor.u32 s3, s0;
	s1 =	sshll.u32 s1, $0x11  }
0xbd: {  	s0 =	sor.u32 s1, s0  }
0xbe: {  	s0 =	sadd.s32 $0x8F2B, s0  }
0xbf: {  	[sflag:s0] =	ssyncadd.remote.s32 $0x1  }
0xc0: {  	_ =	sfence.sel $0xFFFF  }
0xc1: {  	[dreg:$0x0] =	wrdreg $0xFFFFFFFF;
	(pc) =	sbr.abs _section_cstart, $3  }
0xc2: {  	[dreg:$0x1] =	wrdreg $0xFFFFFFFF  }
0xc3: {  	_ =	task.clear_ibuf [dreg:s7], $0x2FFFF;
	_ =	strace $0x9FFFFFFF  }
0xc4: {  	(tm) =	ssettm $0x7FFFFFFF  }
0xc5: {  	_ =	shalt  }
tec
execute0_lowered:
.L_overlay_start_1:
0x0: {  	(tag) =	ssettag $0x1  }
0x1: {  	s0 =	rddreg [dreg:$0x0]  }
0x2: {  	s2 =	rddreg [dreg:$0x2]  }
0x3: {  	s4 =	rddreg [dreg:$0x3];
	s5 =	simm.s32 $0x0;
	s19 =	stileid.u32  }
0x4: {  	s3 =	srdreg.scid;
	s28 =	simm.s32 $0x3;
	s29 =	simm.s32 $0x4  }
0x5: {  	s30 =	simm.s32 $0x0;
	[smem:$0x7FF] =	sst s5;
	s1 =	smul.u32 $0x14000, s19  }
0x6: {  	s6 =	sadd.s32 $0xBE00, s0;
	s12 =	smul.u32 $0x2800, s19;
	s3 =	sand.u32 $0x1, s3  }
0x7: {  	s7 =	sadd.s32 $0x2000, s0;
	s8 =	sadd.s32 $0x15C00, s0;
	s10 =	smul.u32 $0x140000, s3  }
0x8: {  	s14 =	sshll.u32 s19, $0x1;
	_ =	strace $0x8000004A;
	s13 =	smul.u32 $0x28000, s3  }
0x9: {  	s16 =	sor.u32 s3, s14;
	s17 =	ssub.s32 $0x2, s3;
	s3 =	smul.u32 $0x2780, s3  }
0xa: {  	s9 =	sshrl.u32 s1, $0x3;
	s26 =	sshrl.u32 s12, $0x3;
	s20 =	sshrl.u32 s17, $0x1  }
0xb: {  	s11 =	sadd.s32 s9, s0;
	s10 =	sadd.s32 s1, s10;
	s15 =	sadd.s32 s26, s0  }
0xc: {  	s13 =	sadd.s32 s12, s13;
	s17 =	ssub.s32 s17, s20;
	s1 =	sadd.s32 s1, s2  }
0xd: {  	s31 =	sshrl.u32 s10, $0x3;
	s10 =	smul.u32 $0x2780, s16;
	s18 =	sshrl.u32 s13, $0x3  }
0xe: {  	s23 =	sadd.s32 $0x42C00, s11;
	s24 =	sadd.s32 $0x3DC00, s15;
	s15 =	smax.u32 s17, $0x1  }
0xf: {  	s17 =	simm.s32 $0x4200;
	s16 =	sadd.s32 s31, s0;
	[dreg:$0x7] =	wrdreg s23  }
0x10: {  	s0 =	sadd.s32 s18, s0;
	s18 =	smul.u32 $0x4F00, s19;
	[dreg:$0x8] =	wrdreg s24  }
0x11: {  	s31 =	sshll.u32 s19, $0x6;
	s19 =	simm.s32 $0x100;
	s23 =	simm.s32 $0x80  }
0x12: {  	s24 =	simm.s32 $0x200;
	s10 =	sshrl.u32 s10, $0x3;
	s25 =	sadd.s32 $0x6AC00, s16  }
0x13: {  	s14 =	sadd.s32 $0xBAC00, s0;
	s20 =	sor.u32 $0x1C06, s31;
	s21 =	sadd.s32 s6, s10  }
0x14: {  	s22 =	sadd.s32 s7, s10;
	[dreg:$0x9] =	wrdreg s25;
	s26 =	sadd.s32 s3, s18  }
0x15: {  	s18 =	simm.s32 $0x6;
	s25 =	simm.s32 $0x1;
	[dreg:$0x5] =	wrdreg s21  }
0x16: {  	[dreg:$0x6] =	wrdreg s22;
	s22 =	sadd.s32 s12, s4;
	s16 =	sadd.s32 $0x80, s26  }
0x17: {  	s21 =	sshrl.u32 s1, $0x3;
	s26 =	simm.s32 $0x2;
	s22 =	sshrl.u32 s22, $0x3  }
.LBB2_1:
0x18: {  	s0 =	rddreg [dreg:$0x1]  }
0x19: {  	[tilespmem:s17], [sflag:$0x6] =	stream.linear.gather [hbm4b:s0+s5], $0x800, $0x38;
	[tilespmem:$0x1B200] =	vst v63  }
0x1a: {  	_ =	swait.ge [sflag:s18], $0x800  }
0x1b: {  	[sflag:s18] =	ssyncset.done $0x0;
	s1 =	rddreg [dreg:$0x5]  }
0x1c: {  	s3 =	rddreg [dreg:$0x6];
	[sflag:s18] =	ssyncadd.s32 $0xFFFFF800  }
0x1d: {  	[tilespmem:s5], [sflag:$0x4] =	stream.linear.gather [hbm4b:s1+s5], $0x80, $0x38;
	[tilespmem:$0x1B200] =	vst v63  }
0x1e: {  	s9 =	rddreg [dreg:$0x7]  }
0x1f: {  	[tilespmem:s19], [sflag:$0x4] =	stream.linear.gather [hbm4b:s3+s5], $0x80, $0x38;
	[tilespmem:$0x1B200] =	vst v63  }
0x20: {  	[spmem:s21], [sflag:s20] =	dma.local [hbm:s9], $0x2800  }
0x21: {  	_ =	swait.ge [sflag:s18], $0x2800  }
0x22: {  	[sflag:s18] =	ssyncset.done $0x0  }
0x23: {  	s10 =	rddreg [dreg:$0x8];
	[sflag:s18] =	ssyncadd.s32 $0xFFFFD800  }
0x24: {  	[spmem:s22], [sflag:s20] =	dma.local [hbm:s10], $0x500  }
0x25: {  	_ =	swait.ge [sflag:s18], $0x500  }
0x26: {  	s11 =	simm.s32 $0x0;
	[sflag:s18] =	ssyncset.done $0x0  }
0x27: {  	s0 =	sand.u32 $0x1, s11;
	[sflag:s18] =	ssyncadd.s32 $0xFFFFFB00  }
0x28: {  	s1 =	sor.u32 $0x4, s0;
	[bflag:$0x0] =	sbarrier.arrive $0xFFFF  }
0x29: {  	_ =	swait.ge [sflag:s1], $0x80  }
0x2a: {  	[sflag:s1] =	ssyncset.done $0x0  }
0x2b: {  	[sflag:s1] =	ssyncadd.s32 $0xFFFFFF80  }
0x2c: {  	s3 =	sand.u32 $0x1, s25;
	_ =	swait.ge [sflag:s1], $0x80  }
0x2d: {  	s31 =	sshrl.u32 s16, $0x3;
	s12 =	sor.u32 $0x4, s3;
	[sflag:s1] =	ssyncset.done $0x0  }
0x2e: {  	s3 =	sshll.u32 s3, $0x7;
	s9 =	sadd.s32 s6, s31;
	[sflag:s1] =	ssyncadd.s32 $0xFFFFFF80  }
0x2f: {  	[tilespmem:s3], [sflag:s12] =	stream.linear.gather [hbm4b:s9+s5], $0x80, $0x38;
	[tilespmem:$0x1B200] =	vst v63  }
0x30: {  	s13 =	sadd.s32 s7, s31;
	s3 =	sor.u32 $0x100, s3  }
0x31: {  	[tilespmem:s3], [sflag:s12] =	stream.linear.gather [hbm4b:s13+s5], $0x80, $0x38;
	[tilespmem:$0x1B200] =	vst v63  }
0x32: {  	s0 =	sshll.u32 s0, $0x7  }
0x33: {  	[tilespmem:s24], [sflag:$0x1] =	stream.indirect.gather [hbm4b:s8+s23], $0x80, s0, s23, $0xb8;
	[tilespmem:$0x1B200] =	vst v63  }
0x34: {  	_ =	swait.ge [sflag:s25], $0x4000  }
0x35: {  	[sflag:s25] =	ssyncset.done $0x0  }
0x36: {  	s0 =	sor.u32 $0x100, s0;
	[sflag:s25] =	ssyncadd.s32 $0xFFFFC000  }
0x37: {  	[spmem:s2] =	stream.indirect.scatter.add.f32 [tilespmem:s24], [sflag:$0x2], $0x80, s0, s23, $0xb8;
	[tilespmem:$0x1B200] =	vst v63  }
0x38: {  	_ = 	snop  }
0x39: {  	[spmem:s4] =	stream.indirect.scatter.add.f32 [tilespmem:s17], [sflag:$0x3], $0x10, s0, s23, $0xb8;
	[tilespmem:$0x1B200] =	vst v63  }
0x3a: {  	_ =	swait.ge [sflag:s26], $0x4000  }
0x3b: {  	[sflag:s26] =	ssyncset.done $0x0  }
0x3c: {  	s31 =	sadd.s32 $0x80, s16;
	s1 =	simm.s32 $0x1;
	[sflag:s26] =	ssyncadd.s32 $0xFFFFC000  }
0x3d: {  	s3 =	simm.s32 $0x3;
	s0 =	simm.s32 $0x2;
	_ =	swait.ge [sflag:s28], $0x800  }
.LBB2_2:
0x3e: {  	s1 =	sand.u32 $0x1, s1  }
0x3f: {  	[sflag:s28] =	ssyncset.done $0x0;
	s9 =	smov.u32 s3;
	s10 =	sadd.s32 $0x1, s3  }
0x40: {  	p0 =	sne.s32 s3, $0x4E;
	s3 =	sor.u32 $0x4, s1;
	[sflag:s28] =	ssyncadd.s32 $0xFFFFF800  }
0x41: {  	_ =	swait.ge [sflag:s3], $0x80  }
0x42: {  	[sflag:s3] =	ssyncset.done $0x0  }
0x43: {  	[sflag:s3] =	ssyncadd.s32 $0xFFFFFF80  }
0x44: {  	_ =	swait.ge [sflag:s3], $0x80  }
0x45: {  	s0 =	sand.u32 $0x1, s0;
	s11 =	sshrl.u32 s31, $0x3;
	[sflag:s3] =	ssyncset.done $0x0  }
0x46: {  	[sflag:s3] =	ssyncadd.s32 $0xFFFFFF80;
	s3 =	sor.u32 $0x4, s0;
	s0 =	sshll.u32 s0, $0x7  }
0x47: {  	s12 =	sadd.s32 s6, s11;
	s11 =	sadd.s32 s7, s11;
	s13 =	sor.u32 $0x100, s0  }
0x48: {  	[tilespmem:s0], [sflag:s3] =	stream.linear.gather [hbm4b:s12+s5], $0x80, $0x38;
	[tilespmem:$0x1B200] =	vst v63  }
0x49: {  	s0 =	smov.u32 s9  }
0x4a: {  	[tilespmem:s13], [sflag:s3] =	stream.linear.gather [hbm4b:s11+s5], $0x80, $0x38;
	[tilespmem:$0x1B200] =	vst v63  }
0x4b: {  	s1 =	sshll.u32 s1, $0x7  }
0x4c: {  	[tilespmem:s24], [sflag:$0x1] =	stream.indirect.gather [hbm4b:s8+s23], $0x80, s1, s23, $0xb8;
	[tilespmem:$0x1B200] =	vst v63  }
0x4d: {  	_ =	swait.ge [sflag:s25], $0x4000  }
0x4e: {  	s1 =	sor.u32 $0x100, s1;
	[sflag:s25] =	ssyncset.done $0x0  }
0x4f: {  	[sflag:s25] =	ssyncadd.s32 $0xFFFFC000  }
0x50: {  	[spmem:s2] =	stream.indirect.scatter.add.f32 [tilespmem:s24], [sflag:$0x2], $0x80, s1, s23, $0xb8;
	[tilespmem:$0x1B200] =	vst v63  }
0x51: {  	_ = 	snop  }
0x52: {  	[spmem:s4] =	stream.indirect.scatter.add.f32 [tilespmem:s17], [sflag:$0x3], $0x10, s1, s23, $0xb8;
	[tilespmem:$0x1B200] =	vst v63  }
.Ltmp0:
0x53: {  	_ = 	snop;
	(pc) =	sbr.rel @p0 .LBB2_2-.Ltmp0, $4  }
0x54: {  	_ =	swait.ge [sflag:s26], $0x4000  }
0x55: {  	[sflag:s26] =	ssyncset.done $0x0  }
0x56: {  	s31 =	sadd.s32 $0x80, s31;
	[sflag:s26] =	ssyncadd.s32 $0xFFFFC000  }
0x57: {  	s3 =	smov.u32 s10;
	s1 =	sadd.s32 $0xFFFFFFFF, s0;
	_ =	swait.ge [sflag:s28], $0x800  }
0x58: {  	s1 =	sand.u32 $0x1, s1;
	[sflag:s28] =	ssyncset.done $0x0  }
0x59: {  	s3 =	sor.u32 $0x4, s1;
	[sflag:s28] =	ssyncadd.s32 $0xFFFFF800  }
0x5a: {  	_ =	swait.ge [sflag:s3], $0x80  }
0x5b: {  	[sflag:s3] =	ssyncset.done $0x0  }
0x5c: {  	[sflag:s3] =	ssyncadd.s32 $0xFFFFFF80  }
0x5d: {  	s0 =	sand.u32 $0x1, s0;
	_ =	swait.ge [sflag:s3], $0x80  }
0x5e: {  	s9 =	sshrl.u32 s31, $0x3;
	s12 =	sor.u32 $0x4, s0;
	[sflag:s3] =	ssyncset.done $0x0  }
0x5f: {  	s0 =	sshll.u32 s0, $0x7;
	s10 =	sadd.s32 s6, s9;
	[sflag:s3] =	ssyncadd.s32 $0xFFFFFF80  }
0x60: {  	[tilespmem:s0], [sflag:s12] =	stream.linear.gather [hbm4b:s10+s5], $0x80, $0x38;
	[tilespmem:$0x1B200] =	vst v63  }
0x61: {  	s9 =	sadd.s32 s7, s9;
	s0 =	sor.u32 $0x100, s0  }
0x62: {  	[tilespmem:s0], [sflag:s12] =	stream.linear.gather [hbm4b:s9+s5], $0x80, $0x38;
	[tilespmem:$0x1B200] =	vst v63  }
0x63: {  	s13 =	sshll.u32 s1, $0x7  }
0x64: {  	[tilespmem:s24], [sflag:$0x1] =	stream.indirect.gather [hbm4b:s8+s23], $0x80, s13, s23, $0xb8;
	[tilespmem:$0x1B200] =	vst v63  }
0x65: {  	_ =	swait.ge [sflag:s25], $0x4000  }
0x66: {  	[sflag:s25] =	ssyncset.done $0x0  }
0x67: {  	s0 =	sor.u32 $0x100, s13;
	[sflag:s25] =	ssyncadd.s32 $0xFFFFC000  }
0x68: {  	[spmem:s2] =	stream.indirect.scatter.add.f32 [tilespmem:s24], [sflag:$0x2], $0x80, s0, s23, $0xb8;
	[tilespmem:$0x1B200] =	vst v63  }
0x69: {  	_ = 	snop  }
0x6a: {  	[spmem:s4] =	stream.indirect.scatter.add.f32 [tilespmem:s17], [sflag:$0x3], $0x10, s0, s23, $0xb8;
	[tilespmem:$0x1B200] =	vst v63  }
0x6b: {  	_ =	swait.ge [sflag:s26], $0x4000  }
0x6c: {  	[sflag:s26] =	ssyncset.done $0x0  }
0x6d: {  	[sflag:s26] =	ssyncadd.s32 $0xFFFFC000  }
0x6e: {  	_ =	swait.ge [sflag:s28], $0x800  }
0x6f: {  	[sflag:s28] =	ssyncset.done $0x0  }
0x70: {  	[sflag:s28] =	ssyncadd.s32 $0xFFFFF800  }
0x71: {  	_ =	swait.ge [sflag:s29], $0x80  }
0x72: {  	[sflag:s29] =	ssyncset.done $0x0  }
0x73: {  	[sflag:s29] =	ssyncadd.s32 $0xFFFFFF80  }
0x74: {  	_ =	swait.ge [sflag:s29], $0x80  }
0x75: {  	[sflag:s29] =	ssyncset.done $0x0  }
0x76: {  	[sflag:s29] =	ssyncadd.s32 $0xFFFFFF80  }
0x77: {  	[tilespmem:s24], [sflag:$0x1] =	stream.indirect.gather [hbm4b:s8+s23], $0x80, s5, s23, $0xb8;
	[tilespmem:$0x1B200] =	vst v63  }
0x78: {  	_ =	swait.ge [sflag:s25], $0x4000  }
0x79: {  	[sflag:s25] =	ssyncset.done $0x0  }
0x7a: {  	[sflag:s25] =	ssyncadd.s32 $0xFFFFC000  }
0x7b: {  	[spmem:s2] =	stream.indirect.scatter.add.f32 [tilespmem:s24], [sflag:$0x2], $0x80, s19, s23, $0xb8;
	[tilespmem:$0x1B200] =	vst v63  }
0x7c: {  	_ = 	snop  }
0x7d: {  	[spmem:s4] =	stream.indirect.scatter.add.f32 [tilespmem:s17], [sflag:$0x3], $0x10, s19, s23, $0xb8;
	[tilespmem:$0x1B200] =	vst v63  }
0x7e: {  	_ =	swait.ge [sflag:s26], $0x4000  }
0x7f: {  	[sflag:s26] =	ssyncset.done $0x0  }
0x80: {  	[sflag:s26] =	ssyncadd.s32 $0xFFFFC000  }
0x81: {  	_ =	swait.ge [sflag:s28], $0x800  }
0x82: {  	[sflag:s28] =	ssyncset.done $0x0  }
0x83: {  	[sflag:s28] =	ssyncadd.s32 $0xFFFFF800  }
0x84: {  	[bflag:$0x0] =	sbarrier.arrive $0xFFFF  }
0x85: {  	s31 =	rddreg [dreg:$0x9]  }
0x86: {  	[hbm:s31], [sflag:s20] =	dma.local [spmem:s21], $0x2800  }
0x87: {  	s30 =	sadd.s32 $0x1, s30;
	_ =	swait.ge [sflag:s18], $0x2800  }
0x88: {  	p0 =	sne.s32 s30, s15;
	[sflag:s18] =	ssyncset.done $0x0  }
.Ltmp1:
0x89: {  	[sflag:s18] =	ssyncadd.s32 $0xFFFFD800;
	(pc) =	sbr.rel @p0 .LBB2_1-.Ltmp1, $4  }
0x8a: {  	[hbm:s14], [sflag:s20] =	dma.local [spmem:s22], $0x500  }
0x8b: {  	_ =	swait.ge [sflag:s18], $0x500  }
0x8c: {  	[sflag:s18] =	ssyncset.done $0x0  }
0x8d: {  	[sflag:s18] =	ssyncadd.s32 $0xFFFFFB00  }
0x8e: {  	_ =	sfence.sel $0x180000  }
0x8f: {  	[bflag:$0x0] =	sbarrier.arrive $0xFFFF  }
0x90: {  	_ =	strace $0x9000004A  }
0x91: {  	s0 =	stileid.u32;
	[bflag:$0x2] =	sbarrier.arrive $0xFFFF  }
0x92: {  	p0 =	sne.s32 s0, $0x0;
	s0 =	rddreg [dreg:$0x4]  }
0x93: {  	s0 =	sadd.s32 @!p0 $0x100000, s0  }
0x94: {  	[sflag:s0] =	ssyncadd.tile.s32 @!p0 $0x1;
	_ =	shalt  }
.Lfunc_end2:
_tile_overlayer_lowered:
.L_overlay_start_2:
0x95: {  	(tag) =	ssettag $0x2  }
0x96: {  	s0 =	rddreg [dreg:$0x0];
	s2 =	stileid.u32  }
0x97: {  	s1 =	rddreg [dreg:$0x1];
	p0 =	sne.s32 s2, $0x0  }
0x98: {  	s3 =	rddreg [dreg:$0x2];
	[bflag:$0x3] =	sbarrier.arrive $0xFFFF;
	s2 =	simm.s32 @!p0 $0x1C06  }
0x99: {  	[timem:s3], [sflag:s2] =	dma.local @!p0 [hbm:s0], s1  }
0x9a: {  	s0 =	simm.s32 @!p0 $0x6  }
0x9b: {  	_ =	swait.ge @!p0 [sflag:s0], s1  }
0x9c: {  	s1 =	ssub.s32 @!p0 $0x0, s1;
	[sflag:s0] =	ssyncset.done @!p0 $0x0  }
0x9d: {  	[sflag:s0] =	ssyncadd.s32 @!p0 s1  }
0x9e: {  	[bflag:$0x3] =	sbarrier.arrive $0xFFFF  }
0x9f: {  	_ =	shalt  }

</sc_bundles>
